<compile_context>
chip_gen: v7x
topology: tpu7x:2x2x1
jax: 0.10.2.dev20260603
libtpu: 0.0.44.dev20260713+nightly
codegen_flags: <defaults>
</compile_context>

<pallas_src>
import functools

import jax
import jax.numpy as jnp
from jax.experimental import pallas as pl
from jax.experimental.pallas import tpu as pltpu
from jax.experimental.pallas import tpu_sc as plsc

N_NODES = 1024
N_NEIGH = 32
T = 8
B = 16
F_IN = 128
EMB = 128
HID = 128
NCLS = 10

INV_DEG = 1.0 / (N_NEIGH + 1)
BT = 8
NG = B // BT

_SC_CORES = 2
_SC_SUBCORES = 16
_NW = _SC_CORES * _SC_SUBCORES
_RPW = N_NODES // _NW


def _sc_build_a(adj_hbm, a_hbm, adj_v, rows_v):
    wid = jax.lax.axis_index("s") * _SC_CORES + jax.lax.axis_index("c")
    base = wid * _RPW
    pltpu.sync_copy(adj_hbm.at[pl.ds(base, _RPW)], adj_v)
    ones = jnp.full((16,), 1.0, jnp.float32)
    zeros = jnp.zeros((16,), jnp.float32)
    lane0 = jax.lax.iota(jnp.int32, 16) == 0
    full = jnp.ones((16,), jnp.bool_)

    def row_body(r, carry):
        for k in range(N_NODES // 16):
            rows_v[r, pl.ds(k * 16, 16)] = zeros
        return carry

    jax.lax.fori_loop(0, _RPW, row_body, 0)

    def scat_body(r, carry):
        row_idx = jnp.full((16,), r, jnp.int32)
        for j in range(N_NEIGH // 16):
            idx = adj_v[r, pl.ds(j * 16, 16)]
            plsc.addupdate_scatter(rows_v, [row_idx, idx], ones, mask=full)
        self_idx = jnp.full((16,), base + r, jnp.int32)
        plsc.addupdate_scatter(rows_v, [row_idx, self_idx], ones, mask=lane0)
        return carry

    jax.lax.fori_loop(0, _RPW, scat_body, 0)
    pltpu.sync_copy(rows_v, a_hbm.at[pl.ds(base, _RPW)])


def _tc_body(a_ref, x_ref, w1_ref, b1_ref, w2_ref, b2_ref,
             wih_ref, whh_ref, bg_ref, wc_ref, bc_ref,
             out_ref, a_scr, seq_scr):
    t = pl.program_id(0)
    g = pl.program_id(1)

    @pl.when((t == 0) & (g == 0))
    def _cast_a():
        a_scr[...] = a_ref[...].astype(jnp.bfloat16)

    a = a_scr[...]
    w1 = w1_ref[...].astype(jnp.bfloat16)
    w2 = w2_ref[...].astype(jnp.bfloat16)
    b1t = jnp.concatenate([b1_ref[...]] * BT, axis=1)
    b2t = jnp.concatenate([b2_ref[...]] * BT, axis=1)
    y = jnp.concatenate(
        [jnp.dot(x_ref[0, 0, b].astype(jnp.bfloat16), w1,
                 preferred_element_type=jnp.float32).astype(jnp.bfloat16)
         for b in range(BT)],
        axis=1)
    z = jnp.dot(a, y, preferred_element_type=jnp.float32)
    h1 = (jnp.maximum(z * INV_DEG + b1t, 0.0)).astype(jnp.bfloat16)
    y2 = jnp.concatenate(
        [jnp.dot(h1[:, b * F_IN:(b + 1) * F_IN], w2,
                 preferred_element_type=jnp.float32).astype(jnp.bfloat16)
         for b in range(BT)],
        axis=1)
    z2 = jnp.dot(a, y2, preferred_element_type=jnp.float32)
    h2 = jnp.maximum(z2 * INV_DEG + b2t, 0.0)
    s = jnp.sum(h2, axis=0)
    seq_scr[t, pl.ds(g * BT, BT), :] = s.reshape(BT, EMB)

    @pl.when((t == T - 1) & (g == NG - 1))
    def _lstm_cls():
        bg = bg_ref[...]
        h = jnp.zeros((B, HID), dtype=jnp.float32)
        c = jnp.zeros((B, HID), dtype=jnp.float32)
        for tt in range(T):
            x = seq_scr[tt]
            gates = (jax.lax.dot_general(x, wih_ref[...], (((1,), (1,)), ((), ())),
                                         preferred_element_type=jnp.float32)
                     + jax.lax.dot_general(h, whh_ref[...], (((1,), (1,)), ((), ())),
                                           preferred_element_type=jnp.float32)
                     + bg)
            i = jax.nn.sigmoid(gates[:, 0 * HID:1 * HID])
            f = jax.nn.sigmoid(gates[:, 1 * HID:2 * HID])
            gg = jnp.tanh(gates[:, 2 * HID:3 * HID])
            o = jax.nn.sigmoid(gates[:, 3 * HID:4 * HID])
            c = f * c + i * gg
            h = o * jnp.tanh(c)
        hr = jnp.maximum(h, 0.0)
        logits = jax.lax.dot_general(hr, wc_ref[...], (((1,), (1,)), ((), ())),
                                     preferred_element_type=jnp.float32) + bc_ref[...]
        logits = logits - jnp.max(logits, axis=1, keepdims=True)
        e = jnp.exp(logits)
        out_ref[...] = e / jnp.sum(e, axis=1, keepdims=True)


@jax.jit
def kernel(node_features, adjacent_mappings, W1, b1, W2, b2, W_ih, W_hh, b_ih, b_hh, Wc, bc):
    adj = adjacent_mappings.astype(jnp.int32)
    nf = node_features.reshape(T, NG, BT, N_NODES, F_IN)

    a_mat = pl.kernel(
        _sc_build_a,
        out_type=jax.ShapeDtypeStruct((N_NODES, N_NODES), jnp.float32),
        mesh=plsc.VectorSubcoreMesh(core_axis_name="c", subcore_axis_name="s"),
        scratch_types=[pltpu.VMEM((_RPW, N_NEIGH), jnp.int32),
                       pltpu.VMEM((_RPW, N_NODES), jnp.float32)],
        compiler_params=pltpu.CompilerParams(needs_layout_passes=False),
    )(adj)

    out = pl.pallas_call(
        _tc_body,
        grid=(T, NG),
        in_specs=[
            pl.BlockSpec((N_NODES, N_NODES), lambda t, g: (0, 0)),
            pl.BlockSpec((1, 1, BT, N_NODES, F_IN), lambda t, g: (t, g, 0, 0, 0)),
            pl.BlockSpec((F_IN, F_IN), lambda t, g: (0, 0)),
            pl.BlockSpec((1, F_IN), lambda t, g: (0, 0)),
            pl.BlockSpec((F_IN, EMB), lambda t, g: (0, 0)),
            pl.BlockSpec((1, EMB), lambda t, g: (0, 0)),
            pl.BlockSpec((4 * HID, EMB), lambda t, g: (0, 0)),
            pl.BlockSpec((4 * HID, HID), lambda t, g: (0, 0)),
            pl.BlockSpec((1, 4 * HID), lambda t, g: (0, 0)),
            pl.BlockSpec((NCLS, HID), lambda t, g: (0, 0)),
            pl.BlockSpec((1, NCLS), lambda t, g: (0, 0)),
        ],
        out_specs=pl.BlockSpec((B, NCLS), lambda t, g: (0, 0)),
        out_shape=jax.ShapeDtypeStruct((B, NCLS), jnp.float32),
        scratch_shapes=[pltpu.VMEM((N_NODES, N_NODES), jnp.bfloat16),
                        pltpu.VMEM((T, B, EMB), jnp.float32)],
    )(a_mat, nf, W1, b1.reshape(1, F_IN), W2, b2.reshape(1, EMB),
      W_ih, W_hh, (b_ih + b_hh).reshape(1, 4 * HID), Wc, bc.reshape(1, NCLS))

    return out

# --- scband reference (transcript-rebuilt; emitter-appended) ---
"""Pipeline reference for scband-beedog-66632122630361 (READ-ONLY COPY).

The authoritative reference and input builder live on the scoring server;
editing this copy changes nothing except your own understanding.
"""

import jax, jax.numpy as jnp
import numpy as np

N_NODES = 1024
N_NEIGH = 32
T = 8
B = 16
F_IN = 128   # n_fapp + n_fpos
EMB = 128    # graph_embedding_size
HID = 128    # g_sequence_hidden_size
NCLS = 10    # class_num


def setup_inputs(seed: int = 0) -> dict:
    key = jax.random.key(seed)
    ks = jax.random.split(key, 12)
    node_features = jax.random.normal(ks[0], (T, B, N_NODES, F_IN), dtype=jnp.float32)
    adjacent_mappings = jax.random.randint(ks[1], (N_NODES, N_NEIGH), 0, N_NODES, dtype=jnp.int64)
    s1 = 1.0 / np.sqrt(F_IN)
    W1 = jax.random.uniform(ks[2], (F_IN, F_IN), minval=-s1, maxval=s1, dtype=jnp.float32)
    b1 = jnp.zeros((F_IN,), dtype=jnp.float32)
    W2 = jax.random.uniform(ks[3], (F_IN, EMB), minval=-s1, maxval=s1, dtype=jnp.float32)
    b2 = jnp.zeros((EMB,), dtype=jnp.float32)
    sh = 1.0 / np.sqrt(HID)
    W_ih = jax.random.uniform(ks[4], (4 * HID, EMB), minval=-sh, maxval=sh, dtype=jnp.float32)
    W_hh = jax.random.uniform(ks[5], (4 * HID, HID), minval=-sh, maxval=sh, dtype=jnp.float32)
    b_ih = jax.random.uniform(ks[6], (4 * HID,), minval=-sh, maxval=sh, dtype=jnp.float32)
    b_hh = jax.random.uniform(ks[7], (4 * HID,), minval=-sh, maxval=sh, dtype=jnp.float32)
    sc = 1.0 / np.sqrt(HID)
    Wc = jax.random.uniform(ks[8], (NCLS, HID), minval=-sc, maxval=sc, dtype=jnp.float32)
    bc = jax.random.uniform(ks[9], (NCLS,), minval=-sc, maxval=sc, dtype=jnp.float32)
    return {"node_features": node_features, "adjacent_mappings": adjacent_mappings,
            "W1": W1, "b1": b1, "W2": W2, "b2": b2,
            "W_ih": W_ih, "W_hh": W_hh, "b_ih": b_ih, "b_hh": b_hh,
            "Wc": Wc, "bc": bc}


def _build_batched_edges(adjacent_mappings):
    # edge = [neighbour, vertex_i] (inverse=False): src=neighbour, dst=vertex
    base_src = adjacent_mappings.reshape(-1).astype(jnp.int32)
    base_dst = jnp.repeat(jnp.arange(N_NODES, dtype=jnp.int32), N_NEIGH)
    offsets = (jnp.arange(B, dtype=jnp.int32) * N_NODES)[:, None]
    src = (base_src[None, :] + offsets).reshape(-1)
    dst = (base_dst[None, :] + offsets).reshape(-1)
    NB = B * N_NODES
    loops = jnp.arange(NB, dtype=jnp.int32)
    src = jnp.concatenate([src, loops])
    dst = jnp.concatenate([dst, loops])
    return src, dst, NB


def _gcn_conv(x, src, dst, NB, W, b):
    # GCNConv: x' = D^{-1/2} (A + I) D^{-1/2} (x W) + b
    x = x @ W
    ones = jnp.ones(src.shape, dtype=x.dtype)
    deg = jax.ops.segment_sum(ones, dst, num_segments=NB)
    dis = 1.0 / jnp.sqrt(deg)  # every node has a self-loop -> deg >= 1
    norm = dis[src] * dis[dst]
    msg = x[src] * norm[:, None]
    out = jax.ops.segment_sum(msg, dst, num_segments=NB)
    return out + b


def _lstm(seq, W_ih, W_hh, b_ih, b_hh):
    def step(carry, x):
        h, c = carry
        gates = x @ W_ih.T + b_ih + h @ W_hh.T + b_hh
        i, f, g, o = jnp.split(gates, 4, axis=1)
        i = jax.nn.sigmoid(i)
        f = jax.nn.sigmoid(f)
        g = jnp.tanh(g)
        o = jax.nn.sigmoid(o)
        c = f * c + i * g
        h = o * jnp.tanh(c)
        return (h, c), h
    h0 = jnp.zeros((seq.shape[1], HID), dtype=seq.dtype)
    c0 = jnp.zeros((seq.shape[1], HID), dtype=seq.dtype)
    (h_n, c_n), _ = jax.lax.scan(step, (h0, c0), seq)
    return h_n


def reference(node_features, adjacent_mappings, W1, b1, W2, b2, W_ih, W_hh, b_ih, b_hh, Wc, bc):
    src, dst, NB = _build_batched_edges(adjacent_mappings)
    seq = []
    for t in range(T):
        x = node_features[t].reshape(NB, F_IN)
        h = jax.nn.relu(_gcn_conv(x, src, dst, NB, W1, b1))
        h = jax.nn.relu(_gcn_conv(h, src, dst, NB, W2, b2))
        h = h.reshape(B, N_NODES, EMB).sum(axis=1)
        seq.append(h)
    seq = jnp.stack(seq)  # (T, B, EMB)
    h_n = _lstm(seq, W_ih, W_hh, b_ih, b_hh)  # (B, HID)
    out = jax.nn.relu(h_n)
    out = out @ Wc.T + bc
    out = jax.nn.softmax(out, axis=1)
    return out

if __name__ == "__main__":
    import jax
    _d = setup_inputs()
    print(jax.jit(kernel)(*tuple(_d.values())))

</pallas_src>

<mosaic_0001>
#map = affine_map<(d0, d1) -> (0, 0)>
module attributes {stable_mosaic.version = 14 : i64} {
  func.func @_sc_build_a(%arg0: i32, %arg1: i32, %arg2: memref<1024x32xi32, #tpu.memory_space<hbm>>, %arg3: memref<1024x1024xf32, #tpu.memory_space<hbm>>, %arg4: memref<32x32xi32, #tpu.memory_space<vmem>>, %arg5: memref<32x1024xf32, #tpu.memory_space<vmem>>) attributes {dimension_semantics = [#tpu.dimension_semantics<core_parallel>, #tpu.dimension_semantics<subcore_parallel>], iteration_bounds = array<i64: 2, 16>, scalar_prefetch = 0 : i64, scratch_operands = 2 : i64, tpu.core_type = #tpu.core_type<sc_vector_subcore>, window_params = [{transform_indices = #map}, {transform_indices = #map}]} {
    %mul3A = arith.constant 2 : i32
    %mul3A_0 = arith.muli %arg1, %mul3A : i32
    %add3A = arith.addi %mul3A_0, %arg0 : i32
    %mul3A_1 = arith.constant 32 : i32
    %mul3A_2 = arith.muli %add3A, %mul3A_1 : i32
    "tpu.region"() ({
      %run_scoped3A = tpu.sem_alloc : memref<!tpu.dma_semaphore, #tpu.memory_space<semaphore_mem>>
      %dma_start3A = arith.constant 0 : i32
      %dma_start3A_21 = tpu.memref_slice %arg2[%mul3A_2, %dma_start3A] : memref<1024x32xi32, #tpu.memory_space<hbm>> -> memref<32x32xi32, #tpu.memory_space<hbm>>
      %dma_start3A_22 = arith.constant 0 : i32
      %dma_start3A_23 = tpu.memref_slice %arg2[%mul3A_2, %dma_start3A_22] : memref<1024x32xi32, #tpu.memory_space<hbm>> -> memref<32x32xi32, #tpu.memory_space<hbm>>
      tpu.enqueue_dma source(%dma_start3A_23 : memref<32x32xi32, #tpu.memory_space<hbm>>) target(%arg4 : memref<32x32xi32, #tpu.memory_space<vmem>>) target_semaphore(%run_scoped3A : memref<!tpu.dma_semaphore, #tpu.memory_space<semaphore_mem>>)
      %dma_wait3A = arith.constant 0 : i32
      %dma_wait3A_24 = tpu.memref_slice %arg2[%mul3A_2, %dma_wait3A] : memref<1024x32xi32, #tpu.memory_space<hbm>> -> memref<32x32xi32, #tpu.memory_space<hbm>>
      %dma_wait3A_25 = arith.constant 0 : i32
      %dma_wait3A_26 = tpu.memref_slice %arg2[%mul3A_2, %dma_wait3A_25] : memref<1024x32xi32, #tpu.memory_space<hbm>> -> memref<32x32xi32, #tpu.memory_space<hbm>>
      tpu.wait_dma2 semaphore(%run_scoped3A : memref<!tpu.dma_semaphore, #tpu.memory_space<semaphore_mem>>) src(%dma_wait3A_26 : memref<32x32xi32, #tpu.memory_space<hbm>>) dst(%arg4 : memref<32x32xi32, #tpu.memory_space<vmem>>)
      tpu.yield
    }) : () -> ()
    %broadcast_in_dim3A = arith.constant 1.000000e+00 : f32
    %broadcast_in_dim3A_3 = vector.broadcast %broadcast_in_dim3A : f32 to vector<16xf32>
    %broadcast_in_dim3A_4 = arith.constant 0.000000e+00 : f32
    %broadcast_in_dim3A_5 = vector.broadcast %broadcast_in_dim3A_4 : f32 to vector<16xf32>
    %iota3A = tpu.iota {dimensions = array<i32: 0>} : vector<16xi32>
    %eq3A = arith.constant 0 : i32
    %eq3A_6 = vector.broadcast %eq3A : i32 to vector<16xi32>
    %eq3A_7 = arith.cmpi eq, %iota3A, %eq3A_6 : vector<16xi32>
    %broadcast_in_dim3A_8 = arith.constant true
    %broadcast_in_dim3A_9 = vector.broadcast %broadcast_in_dim3A_8 : i1 to vector<16xi1>
    %scan3A = arith.constant 0 : i32
    %scan3A_10 = arith.constant 0 : i32
    %scan3A_11 = arith.constant 32 : i32
    %scan3A_12 = arith.addi %scan3A_10, %scan3A_11 : i32
    %scan3A_13 = arith.constant 1 : i32
    scf.for %scan3A_21 = %scan3A_10 to %scan3A_12 step %scan3A_13  : i32 {
      %swap3A = arith.index_cast %scan3A_21 : i32 to index
      %swap3A_22 = arith.constant 0 : index
      %swap3A_23 = tpu.vector_load %arg5[%swap3A, %swap3A_22] {strides = array<i32>} : memref<32x1024xf32, #tpu.memory_space<vmem>>, vector<16xf32>,
      tpu.vector_store %arg5[%swap3A, %swap3A_22], %broadcast_in_dim3A_5 {strides = array<i32>} : memref<32x1024xf32, #tpu.memory_space<vmem>>, vector<16xf32>,
      %swap3A_24 = arith.index_cast %scan3A_21 : i32 to index
      %swap3A_25 = arith.constant 16 : index
      %swap3A_26 = tpu.vector_load %arg5[%swap3A_24, %swap3A_25] {strides = array<i32>} : memref<32x1024xf32, #tpu.memory_space<vmem>>, vector<16xf32>,
      tpu.vector_store %arg5[%swap3A_24, %swap3A_25], %broadcast_in_dim3A_5 {strides = array<i32>} : memref<32x1024xf32, #tpu.memory_space<vmem>>, vector<16xf32>,
      %swap3A_27 = arith.index_cast %scan3A_21 : i32 to index
      %swap3A_28 = arith.constant 32 : index
      %swap3A_29 = tpu.vector_load %arg5[%swap3A_27, %swap3A_28] {strides = array<i32>} : memref<32x1024xf32, #tpu.memory_space<vmem>>, vector<16xf32>,
      tpu.vector_store %arg5[%swap3A_27, %swap3A_28], %broadcast_in_dim3A_5 {strides = array<i32>} : memref<32x1024xf32, #tpu.memory_space<vmem>>, vector<16xf32>,
      %swap3A_30 = arith.index_cast %scan3A_21 : i32 to index
      %swap3A_31 = arith.constant 48 : index
      %swap3A_32 = tpu.vector_load %arg5[%swap3A_30, %swap3A_31] {strides = array<i32>} : memref<32x1024xf32, #tpu.memory_space<vmem>>, vector<16xf32>,
      tpu.vector_store %arg5[%swap3A_30, %swap3A_31], %broadcast_in_dim3A_5 {strides = array<i32>} : memref<32x1024xf32, #tpu.memory_space<vmem>>, vector<16xf32>,
      %swap3A_33 = arith.index_cast %scan3A_21 : i32 to index
      %swap3A_34 = arith.constant 64 : index
      %swap3A_35 = tpu.vector_load %arg5[%swap3A_33, %swap3A_34] {strides = array<i32>} : memref<32x1024xf32, #tpu.memory_space<vmem>>, vector<16xf32>,
      tpu.vector_store %arg5[%swap3A_33, %swap3A_34], %broadcast_in_dim3A_5 {strides = array<i32>} : memref<32x1024xf32, #tpu.memory_space<vmem>>, vector<16xf32>,
      %swap3A_36 = arith.index_cast %scan3A_21 : i32 to index
      %swap3A_37 = arith.constant 80 : index
      %swap3A_38 = tpu.vector_load %arg5[%swap3A_36, %swap3A_37] {strides = array<i32>} : memref<32x1024xf32, #tpu.memory_space<vmem>>, vector<16xf32>,
      tpu.vector_store %arg5[%swap3A_36, %swap3A_37], %broadcast_in_dim3A_5 {strides = array<i32>} : memref<32x1024xf32, #tpu.memory_space<vmem>>, vector<16xf32>,
      %swap3A_39 = arith.index_cast %scan3A_21 : i32 to index
      %swap3A_40 = arith.constant 96 : index
      %swap3A_41 = tpu.vector_load %arg5[%swap3A_39, %swap3A_40] {strides = array<i32>} : memref<32x1024xf32, #tpu.memory_space<vmem>>, vector<16xf32>,
      tpu.vector_store %arg5[%swap3A_39, %swap3A_40], %broadcast_in_dim3A_5 {strides = array<i32>} : memref<32x1024xf32, #tpu.memory_space<vmem>>, vector<16xf32>,
      %swap3A_42 = arith.index_cast %scan3A_21 : i32 to index
      %swap3A_43 = arith.constant 112 : index
      %swap3A_44 = tpu.vector_load %arg5[%swap3A_42, %swap3A_43] {strides = array<i32>} : memref<32x1024xf32, #tpu.memory_space<vmem>>, vector<16xf32>,
      tpu.vector_store %arg5[%swap3A_42, %swap3A_43], %broadcast_in_dim3A_5 {strides = array<i32>} : memref<32x1024xf32, #tpu.memory_space<vmem>>, vector<16xf32>,
      %swap3A_45 = arith.index_cast %scan3A_21 : i32 to index
      %swap3A_46 = arith.constant 128 : index
      %swap3A_47 = tpu.vector_load %arg5[%swap3A_45, %swap3A_46] {strides = array<i32>} : memref<32x1024xf32, #tpu.memory_space<vmem>>, vector<16xf32>,
      tpu.vector_store %arg5[%swap3A_45, %swap3A_46], %broadcast_in_dim3A_5 {strides = array<i32>} : memref<32x1024xf32, #tpu.memory_space<vmem>>, vector<16xf32>,
      %swap3A_48 = arith.index_cast %scan3A_21 : i32 to index
      %swap3A_49 = arith.constant 144 : index
      %swap3A_50 = tpu.vector_load %arg5[%swap3A_48, %swap3A_49] {strides = array<i32>} : memref<32x1024xf32, #tpu.memory_space<vmem>>, vector<16xf32>,
      tpu.vector_store %arg5[%swap3A_48, %swap3A_49], %broadcast_in_dim3A_5 {strides = array<i32>} : memref<32x1024xf32, #tpu.memory_space<vmem>>, vector<16xf32>,
      %swap3A_51 = arith.index_cast %scan3A_21 : i32 to index
      %swap3A_52 = arith.constant 160 : index
      %swap3A_53 = tpu.vector_load %arg5[%swap3A_51, %swap3A_52] {strides = array<i32>} : memref<32x1024xf32, #tpu.memory_space<vmem>>, vector<16xf32>,
      tpu.vector_store %arg5[%swap3A_51, %swap3A_52], %broadcast_in_dim3A_5 {strides = array<i32>} : memref<32x1024xf32, #tpu.memory_space<vmem>>, vector<16xf32>,
      %swap3A_54 = arith.index_cast %scan3A_21 : i32 to index
      %swap3A_55 = arith.constant 176 : index
      %swap3A_56 = tpu.vector_load %arg5[%swap3A_54, %swap3A_55] {strides = array<i32>} : memref<32x1024xf32, #tpu.memory_space<vmem>>, vector<16xf32>,
      tpu.vector_store %arg5[%swap3A_54, %swap3A_55], %broadcast_in_dim3A_5 {strides = array<i32>} : memref<32x1024xf32, #tpu.memory_space<vmem>>, vector<16xf32>,
      %swap3A_57 = arith.index_cast %scan3A_21 : i32 to index
      %swap3A_58 = arith.constant 192 : index
      %swap3A_59 = tpu.vector_load %arg5[%swap3A_57, %swap3A_58] {strides = array<i32>} : memref<32x1024xf32, #tpu.memory_space<vmem>>, vector<16xf32>,
      tpu.vector_store %arg5[%swap3A_57, %swap3A_58], %broadcast_in_dim3A_5 {strides = array<i32>} : memref<32x1024xf32, #tpu.memory_space<vmem>>, vector<16xf32>,
      %swap3A_60 = arith.index_cast %scan3A_21 : i32 to index
      %swap3A_61 = arith.constant 208 : index
      %swap3A_62 = tpu.vector_load %arg5[%swap3A_60, %swap3A_61] {strides = array<i32>} : memref<32x1024xf32, #tpu.memory_space<vmem>>, vector<16xf32>,
      tpu.vector_store %arg5[%swap3A_60, %swap3A_61], %broadcast_in_dim3A_5 {strides = array<i32>} : memref<32x1024xf32, #tpu.memory_space<vmem>>, vector<16xf32>,
      %swap3A_63 = arith.index_cast %scan3A_21 : i32 to index
      %swap3A_64 = arith.constant 224 : index
      %swap3A_65 = tpu.vector_load %arg5[%swap3A_63, %swap3A_64] {strides = array<i32>} : memref<32x1024xf32, #tpu.memory_space<vmem>>, vector<16xf32>,
      tpu.vector_store %arg5[%swap3A_63, %swap3A_64], %broadcast_in_dim3A_5 {strides = array<i32>} : memref<32x1024xf32, #tpu.memory_space<vmem>>, vector<16xf32>,
      %swap3A_66 = arith.index_cast %scan3A_21 : i32 to index
      %swap3A_67 = arith.constant 240 : index
      %swap3A_68 = tpu.vector_load %arg5[%swap3A_66, %swap3A_67] {strides = array<i32>} : memref<32x1024xf32, #tpu.memory_space<vmem>>, vector<16xf32>,
      tpu.vector_store %arg5[%swap3A_66, %swap3A_67], %broadcast_in_dim3A_5 {strides = array<i32>} : memref<32x1024xf32, #tpu.memory_space<vmem>>, vector<16xf32>,
      %swap3A_69 = arith.index_cast %scan3A_21 : i32 to index
      %swap3A_70 = arith.constant 256 : index
      %swap3A_71 = tpu.vector_load %arg5[%swap3A_69, %swap3A_70] {strides = array<i32>} : memref<32x1024xf32, #tpu.memory_space<vmem>>, vector<16xf32>,
      tpu.vector_store %arg5[%swap3A_69, %swap3A_70], %broadcast_in_dim3A_5 {strides = array<i32>} : memref<32x1024xf32, #tpu.memory_space<vmem>>, vector<16xf32>,
      %swap3A_72 = arith.index_cast %scan3A_21 : i32 to index
      %swap3A_73 = arith.constant 272 : index
      %swap3A_74 = tpu.vector_load %arg5[%swap3A_72, %swap3A_73] {strides = array<i32>} : memref<32x1024xf32, #tpu.memory_space<vmem>>, vector<16xf32>,
      tpu.vector_store %arg5[%swap3A_72, %swap3A_73], %broadcast_in_dim3A_5 {strides = array<i32>} : memref<32x1024xf32, #tpu.memory_space<vmem>>, vector<16xf32>,
      %swap3A_75 = arith.index_cast %scan3A_21 : i32 to index
      %swap3A_76 = arith.constant 288 : index
      %swap3A_77 = tpu.vector_load %arg5[%swap3A_75, %swap3A_76] {strides = array<i32>} : memref<32x1024xf32, #tpu.memory_space<vmem>>, vector<16xf32>,
      tpu.vector_store %arg5[%swap3A_75, %swap3A_76], %broadcast_in_dim3A_5 {strides = array<i32>} : memref<32x1024xf32, #tpu.memory_space<vmem>>, vector<16xf32>,
      %swap3A_78 = arith.index_cast %scan3A_21 : i32 to index
      %swap3A_79 = arith.constant 304 : index
      %swap3A_80 = tpu.vector_load %arg5[%swap3A_78, %swap3A_79] {strides = array<i32>} : memref<32x1024xf32, #tpu.memory_space<vmem>>, vector<16xf32>,
      tpu.vector_store %arg5[%swap3A_78, %swap3A_79], %broadcast_in_dim3A_5 {strides = array<i32>} : memref<32x1024xf32, #tpu.memory_space<vmem>>, vector<16xf32>,
      %swap3A_81 = arith.index_cast %scan3A_21 : i32 to index
      %swap3A_82 = arith.constant 320 : index
      %swap3A_83 = tpu.vector_load %arg5[%swap3A_81, %swap3A_82] {strides = array<i32>} : memref<32x1024xf32, #tpu.memory_space<vmem>>, vector<16xf32>,
      tpu.vector_store %arg5[%swap3A_81, %swap3A_82], %broadcast_in_dim3A_5 {strides = array<i32>} : memref<32x1024xf32, #tpu.memory_space<vmem>>, vector<16xf32>,
      %swap3A_84 = arith.index_cast %scan3A_21 : i32 to index
      %swap3A_85 = arith.constant 336 : index
      %swap3A_86 = tpu.vector_load %arg5[%swap3A_84, %swap3A_85] {strides = array<i32>} : memref<32x1024xf32, #tpu.memory_space<vmem>>, vector<16xf32>,
      tpu.vector_store %arg5[%swap3A_84, %swap3A_85], %broadcast_in_dim3A_5 {strides = array<i32>} : memref<32x1024xf32, #tpu.memory_space<vmem>>, vector<16xf32>,
      %swap3A_87 = arith.index_cast %scan3A_21 : i32 to index
      %swap3A_88 = arith.constant 352 : index
      %swap3A_89 = tpu.vector_load %arg5[%swap3A_87, %swap3A_88] {strides = array<i32>} : memref<32x1024xf32, #tpu.memory_space<vmem>>, vector<16xf32>,
      tpu.vector_store %arg5[%swap3A_87, %swap3A_88], %broadcast_in_dim3A_5 {strides = array<i32>} : memref<32x1024xf32, #tpu.memory_space<vmem>>, vector<16xf32>,
      %swap3A_90 = arith.index_cast %scan3A_21 : i32 to index
      %swap3A_91 = arith.constant 368 : index
      %swap3A_92 = tpu.vector_load %arg5[%swap3A_90, %swap3A_91] {strides = array<i32>} : memref<32x1024xf32, #tpu.memory_space<vmem>>, vector<16xf32>,
      tpu.vector_store %arg5[%swap3A_90, %swap3A_91], %broadcast_in_dim3A_5 {strides = array<i32>} : memref<32x1024xf32, #tpu.memory_space<vmem>>, vector<16xf32>,
      %swap3A_93 = arith.index_cast %scan3A_21 : i32 to index
      %swap3A_94 = arith.constant 384 : index
      %swap3A_95 = tpu.vector_load %arg5[%swap3A_93, %swap3A_94] {strides = array<i32>} : memref<32x1024xf32, #tpu.memory_space<vmem>>, vector<16xf32>,
      tpu.vector_store %arg5[%swap3A_93, %swap3A_94], %broadcast_in_dim3A_5 {strides = array<i32>} : memref<32x1024xf32, #tpu.memory_space<vmem>>, vector<16xf32>,
      %swap3A_96 = arith.index_cast %scan3A_21 : i32 to index
      %swap3A_97 = arith.constant 400 : index
      %swap3A_98 = tpu.vector_load %arg5[%swap3A_96, %swap3A_97] {strides = array<i32>} : memref<32x1024xf32, #tpu.memory_space<vmem>>, vector<16xf32>,
      tpu.vector_store %arg5[%swap3A_96, %swap3A_97], %broadcast_in_dim3A_5 {strides = array<i32>} : memref<32x1024xf32, #tpu.memory_space<vmem>>, vector<16xf32>,
      %swap3A_99 = arith.index_cast %scan3A_21 : i32 to index
      %swap3A_100 = arith.constant 416 : index
      %swap3A_101 = tpu.vector_load %arg5[%swap3A_99, %swap3A_100] {strides = array<i32>} : memref<32x1024xf32, #tpu.memory_space<vmem>>, vector<16xf32>,
      tpu.vector_store %arg5[%swap3A_99, %swap3A_100], %broadcast_in_dim3A_5 {strides = array<i32>} : memref<32x1024xf32, #tpu.memory_space<vmem>>, vector<16xf32>,
      %swap3A_102 = arith.index_cast %scan3A_21 : i32 to index
      %swap3A_103 = arith.constant 432 : index
      %swap3A_104 = tpu.vector_load %arg5[%swap3A_102, %swap3A_103] {strides = array<i32>} : memref<32x1024xf32, #tpu.memory_space<vmem>>, vector<16xf32>,
      tpu.vector_store %arg5[%swap3A_102, %swap3A_103], %broadcast_in_dim3A_5 {strides = array<i32>} : memref<32x1024xf32, #tpu.memory_space<vmem>>, vector<16xf32>,
      %swap3A_105 = arith.index_cast %scan3A_21 : i32 to index
      %swap3A_106 = arith.constant 448 : index
      %swap3A_107 = tpu.vector_load %arg5[%swap3A_105, %swap3A_106] {strides = array<i32>} : memref<32x1024xf32, #tpu.memory_space<vmem>>, vector<16xf32>,
      tpu.vector_store %arg5[%swap3A_105, %swap3A_106], %broadcast_in_dim3A_5 {strides = array<i32>} : memref<32x1024xf32, #tpu.memory_space<vmem>>, vector<16xf32>,
      %swap3A_108 = arith.index_cast %scan3A_21 : i32 to index
      %swap3A_109 = arith.constant 464 : index
      %swap3A_110 = tpu.vector_load %arg5[%swap3A_108, %swap3A_109] {strides = array<i32>} : memref<32x1024xf32, #tpu.memory_space<vmem>>, vector<16xf32>,
      tpu.vector_store %arg5[%swap3A_108, %swap3A_109], %broadcast_in_dim3A_5 {strides = array<i32>} : memref<32x1024xf32, #tpu.memory_space<vmem>>, vector<16xf32>,
      %swap3A_111 = arith.index_cast %scan3A_21 : i32 to index
      %swap3A_112 = arith.constant 480 : index
      %swap3A_113 = tpu.vector_load %arg5[%swap3A_111, %swap3A_112] {strides = array<i32>} : memref<32x1024xf32, #tpu.memory_space<vmem>>, vector<16xf32>,
      tpu.vector_store %arg5[%swap3A_111, %swap3A_112], %broadcast_in_dim3A_5 {strides = array<i32>} : memref<32x1024xf32, #tpu.memory_space<vmem>>, vector<16xf32>,
      %swap3A_114 = arith.index_cast %scan3A_21 : i32 to index
      %swap3A_115 = arith.constant 496 : index
      %swap3A_116 = tpu.vector_load %arg5[%swap3A_114, %swap3A_115] {strides = array<i32>} : memref<32x1024xf32, #tpu.memory_space<vmem>>, vector<16xf32>,
      tpu.vector_store %arg5[%swap3A_114, %swap3A_115], %broadcast_in_dim3A_5 {strides = array<i32>} : memref<32x1024xf32, #tpu.memory_space<vmem>>, vector<16xf32>,
      %swap3A_117 = arith.index_cast %scan3A_21 : i32 to index
      %swap3A_118 = arith.constant 512 : index
      %swap3A_119 = tpu.vector_load %arg5[%swap3A_117, %swap3A_118] {strides = array<i32>} : memref<32x1024xf32, #tpu.memory_space<vmem>>, vector<16xf32>,
      tpu.vector_store %arg5[%swap3A_117, %swap3A_118], %broadcast_in_dim3A_5 {strides = array<i32>} : memref<32x1024xf32, #tpu.memory_space<vmem>>, vector<16xf32>,
      %swap3A_120 = arith.index_cast %scan3A_21 : i32 to index
      %swap3A_121 = arith.constant 528 : index
      %swap3A_122 = tpu.vector_load %arg5[%swap3A_120, %swap3A_121] {strides = array<i32>} : memref<32x1024xf32, #tpu.memory_space<vmem>>, vector<16xf32>,
      tpu.vector_store %arg5[%swap3A_120, %swap3A_121], %broadcast_in_dim3A_5 {strides = array<i32>} : memref<32x1024xf32, #tpu.memory_space<vmem>>, vector<16xf32>,
      %swap3A_123 = arith.index_cast %scan3A_21 : i32 to index
      %swap3A_124 = arith.constant 544 : index
      %swap3A_125 = tpu.vector_load %arg5[%swap3A_123, %swap3A_124] {strides = array<i32>} : memref<32x1024xf32, #tpu.memory_space<vmem>>, vector<16xf32>,
      tpu.vector_store %arg5[%swap3A_123, %swap3A_124], %broadcast_in_dim3A_5 {strides = array<i32>} : memref<32x1024xf32, #tpu.memory_space<vmem>>, vector<16xf32>,
      %swap3A_126 = arith.index_cast %scan3A_21 : i32 to index
      %swap3A_127 = arith.constant 560 : index
      %swap3A_128 = tpu.vector_load %arg5[%swap3A_126, %swap3A_127] {strides = array<i32>} : memref<32x1024xf32, #tpu.memory_space<vmem>>, vector<16xf32>,
      tpu.vector_store %arg5[%swap3A_126, %swap3A_127], %broadcast_in_dim3A_5 {strides = array<i32>} : memref<32x1024xf32, #tpu.memory_space<vmem>>, vector<16xf32>,
      %swap3A_129 = arith.index_cast %scan3A_21 : i32 to index
      %swap3A_130 = arith.constant 576 : index
      %swap3A_131 = tpu.vector_load %arg5[%swap3A_129, %swap3A_130] {strides = array<i32>} : memref<32x1024xf32, #tpu.memory_space<vmem>>, vector<16xf32>,
      tpu.vector_store %arg5[%swap3A_129, %swap3A_130], %broadcast_in_dim3A_5 {strides = array<i32>} : memref<32x1024xf32, #tpu.memory_space<vmem>>, vector<16xf32>,
      %swap3A_132 = arith.index_cast %scan3A_21 : i32 to index
      %swap3A_133 = arith.constant 592 : index
      %swap3A_134 = tpu.vector_load %arg5[%swap3A_132, %swap3A_133] {strides = array<i32>} : memref<32x1024xf32, #tpu.memory_space<vmem>>, vector<16xf32>,
      tpu.vector_store %arg5[%swap3A_132, %swap3A_133], %broadcast_in_dim3A_5 {strides = array<i32>} : memref<32x1024xf32, #tpu.memory_space<vmem>>, vector<16xf32>,
      %swap3A_135 = arith.index_cast %scan3A_21 : i32 to index
      %swap3A_136 = arith.constant 608 : index
      %swap3A_137 = tpu.vector_load %arg5[%swap3A_135, %swap3A_136] {strides = array<i32>} : memref<32x1024xf32, #tpu.memory_space<vmem>>, vector<16xf32>,
      tpu.vector_store %arg5[%swap3A_135, %swap3A_136], %broadcast_in_dim3A_5 {strides = array<i32>} : memref<32x1024xf32, #tpu.memory_space<vmem>>, vector<16xf32>,
      %swap3A_138 = arith.index_cast %scan3A_21 : i32 to index
      %swap3A_139 = arith.constant 624 : index
      %swap3A_140 = tpu.vector_load %arg5[%swap3A_138, %swap3A_139] {strides = array<i32>} : memref<32x1024xf32, #tpu.memory_space<vmem>>, vector<16xf32>,
      tpu.vector_store %arg5[%swap3A_138, %swap3A_139], %broadcast_in_dim3A_5 {strides = array<i32>} : memref<32x1024xf32, #tpu.memory_space<vmem>>, vector<16xf32>,
      %swap3A_141 = arith.index_cast %scan3A_21 : i32 to index
      %swap3A_142 = arith.constant 640 : index
      %swap3A_143 = tpu.vector_load %arg5[%swap3A_141, %swap3A_142] {strides = array<i32>} : memref<32x1024xf32, #tpu.memory_space<vmem>>, vector<16xf32>,
      tpu.vector_store %arg5[%swap3A_141, %swap3A_142], %broadcast_in_dim3A_5 {strides = array<i32>} : memref<32x1024xf32, #tpu.memory_space<vmem>>, vector<16xf32>,
      %swap3A_144 = arith.index_cast %scan3A_21 : i32 to index
      %swap3A_145 = arith.constant 656 : index
      %swap3A_146 = tpu.vector_load %arg5[%swap3A_144, %swap3A_145] {strides = array<i32>} : memref<32x1024xf32, #tpu.memory_space<vmem>>, vector<16xf32>,
      tpu.vector_store %arg5[%swap3A_144, %swap3A_145], %broadcast_in_dim3A_5 {strides = array<i32>} : memref<32x1024xf32, #tpu.memory_space<vmem>>, vector<16xf32>,
      %swap3A_147 = arith.index_cast %scan3A_21 : i32 to index
      %swap3A_148 = arith.constant 672 : index
      %swap3A_149 = tpu.vector_load %arg5[%swap3A_147, %swap3A_148] {strides = array<i32>} : memref<32x1024xf32, #tpu.memory_space<vmem>>, vector<16xf32>,
      tpu.vector_store %arg5[%swap3A_147, %swap3A_148], %broadcast_in_dim3A_5 {strides = array<i32>} : memref<32x1024xf32, #tpu.memory_space<vmem>>, vector<16xf32>,
      %swap3A_150 = arith.index_cast %scan3A_21 : i32 to index
      %swap3A_151 = arith.constant 688 : index
      %swap3A_152 = tpu.vector_load %arg5[%swap3A_150, %swap3A_151] {strides = array<i32>} : memref<32x1024xf32, #tpu.memory_space<vmem>>, vector<16xf32>,
      tpu.vector_store %arg5[%swap3A_150, %swap3A_151], %broadcast_in_dim3A_5 {strides = array<i32>} : memref<32x1024xf32, #tpu.memory_space<vmem>>, vector<16xf32>,
      %swap3A_153 = arith.index_cast %scan3A_21 : i32 to index
      %swap3A_154 = arith.constant 704 : index
      %swap3A_155 = tpu.vector_load %arg5[%swap3A_153, %swap3A_154] {strides = array<i32>} : memref<32x1024xf32, #tpu.memory_space<vmem>>, vector<16xf32>,
      tpu.vector_store %arg5[%swap3A_153, %swap3A_154], %broadcast_in_dim3A_5 {strides = array<i32>} : memref<32x1024xf32, #tpu.memory_space<vmem>>, vector<16xf32>,
      %swap3A_156 = arith.index_cast %scan3A_21 : i32 to index
      %swap3A_157 = arith.constant 720 : index
      %swap3A_158 = tpu.vector_load %arg5[%swap3A_156, %swap3A_157] {strides = array<i32>} : memref<32x1024xf32, #tpu.memory_space<vmem>>, vector<16xf32>,
      tpu.vector_store %arg5[%swap3A_156, %swap3A_157], %broadcast_in_dim3A_5 {strides = array<i32>} : memref<32x1024xf32, #tpu.memory_space<vmem>>, vector<16xf32>,
      %swap3A_159 = arith.index_cast %scan3A_21 : i32 to index
      %swap3A_160 = arith.constant 736 : index
      %swap3A_161 = tpu.vector_load %arg5[%swap3A_159, %swap3A_160] {strides = array<i32>} : memref<32x1024xf32, #tpu.memory_space<vmem>>, vector<16xf32>,
      tpu.vector_store %arg5[%swap3A_159, %swap3A_160], %broadcast_in_dim3A_5 {strides = array<i32>} : memref<32x1024xf32, #tpu.memory_space<vmem>>, vector<16xf32>,
      %swap3A_162 = arith.index_cast %scan3A_21 : i32 to index
      %swap3A_163 = arith.constant 752 : index
      %swap3A_164 = tpu.vector_load %arg5[%swap3A_162, %swap3A_163] {strides = array<i32>} : memref<32x1024xf32, #tpu.memory_space<vmem>>, vector<16xf32>,
      tpu.vector_store %arg5[%swap3A_162, %swap3A_163], %broadcast_in_dim3A_5 {strides = array<i32>} : memref<32x1024xf32, #tpu.memory_space<vmem>>, vector<16xf32>,
      %swap3A_165 = arith.index_cast %scan3A_21 : i32 to index
      %swap3A_166 = arith.constant 768 : index
      %swap3A_167 = tpu.vector_load %arg5[%swap3A_165, %swap3A_166] {strides = array<i32>} : memref<32x1024xf32, #tpu.memory_space<vmem>>, vector<16xf32>,
      tpu.vector_store %arg5[%swap3A_165, %swap3A_166], %broadcast_in_dim3A_5 {strides = array<i32>} : memref<32x1024xf32, #tpu.memory_space<vmem>>, vector<16xf32>,
      %swap3A_168 = arith.index_cast %scan3A_21 : i32 to index
      %swap3A_169 = arith.constant 784 : index
      %swap3A_170 = tpu.vector_load %arg5[%swap3A_168, %swap3A_169] {strides = array<i32>} : memref<32x1024xf32, #tpu.memory_space<vmem>>, vector<16xf32>,
      tpu.vector_store %arg5[%swap3A_168, %swap3A_169], %broadcast_in_dim3A_5 {strides = array<i32>} : memref<32x1024xf32, #tpu.memory_space<vmem>>, vector<16xf32>,
      %swap3A_171 = arith.index_cast %scan3A_21 : i32 to index
      %swap3A_172 = arith.constant 800 : index
      %swap3A_173 = tpu.vector_load %arg5[%swap3A_171, %swap3A_172] {strides = array<i32>} : memref<32x1024xf32, #tpu.memory_space<vmem>>, vector<16xf32>,
      tpu.vector_store %arg5[%swap3A_171, %swap3A_172], %broadcast_in_dim3A_5 {strides = array<i32>} : memref<32x1024xf32, #tpu.memory_space<vmem>>, vector<16xf32>,
      %swap3A_174 = arith.index_cast %scan3A_21 : i32 to index
      %swap3A_175 = arith.constant 816 : index
      %swap3A_176 = tpu.vector_load %arg5[%swap3A_174, %swap3A_175] {strides = array<i32>} : memref<32x1024xf32, #tpu.memory_space<vmem>>, vector<16xf32>,
      tpu.vector_store %arg5[%swap3A_174, %swap3A_175], %broadcast_in_dim3A_5 {strides = array<i32>} : memref<32x1024xf32, #tpu.memory_space<vmem>>, vector<16xf32>,
      %swap3A_177 = arith.index_cast %scan3A_21 : i32 to index
      %swap3A_178 = arith.constant 832 : index
      %swap3A_179 = tpu.vector_load %arg5[%swap3A_177, %swap3A_178] {strides = array<i32>} : memref<32x1024xf32, #tpu.memory_space<vmem>>, vector<16xf32>,
      tpu.vector_store %arg5[%swap3A_177, %swap3A_178], %broadcast_in_dim3A_5 {strides = array<i32>} : memref<32x1024xf32, #tpu.memory_space<vmem>>, vector<16xf32>,
      %swap3A_180 = arith.index_cast %scan3A_21 : i32 to index
      %swap3A_181 = arith.constant 848 : index
      %swap3A_182 = tpu.vector_load %arg5[%swap3A_180, %swap3A_181] {strides = array<i32>} : memref<32x1024xf32, #tpu.memory_space<vmem>>, vector<16xf32>,
      tpu.vector_store %arg5[%swap3A_180, %swap3A_181], %broadcast_in_dim3A_5 {strides = array<i32>} : memref<32x1024xf32, #tpu.memory_space<vmem>>, vector<16xf32>,
      %swap3A_183 = arith.index_cast %scan3A_21 : i32 to index
      %swap3A_184 = arith.constant 864 : index
      %swap3A_185 = tpu.vector_load %arg5[%swap3A_183, %swap3A_184] {strides = array<i32>} : memref<32x1024xf32, #tpu.memory_space<vmem>>, vector<16xf32>,
      tpu.vector_store %arg5[%swap3A_183, %swap3A_184], %broadcast_in_dim3A_5 {strides = array<i32>} : memref<32x1024xf32, #tpu.memory_space<vmem>>, vector<16xf32>,
      %swap3A_186 = arith.index_cast %scan3A_21 : i32 to index
      %swap3A_187 = arith.constant 880 : index
      %swap3A_188 = tpu.vector_load %arg5[%swap3A_186, %swap3A_187] {strides = array<i32>} : memref<32x1024xf32, #tpu.memory_space<vmem>>, vector<16xf32>,
      tpu.vector_store %arg5[%swap3A_186, %swap3A_187], %broadcast_in_dim3A_5 {strides = array<i32>} : memref<32x1024xf32, #tpu.memory_space<vmem>>, vector<16xf32>,
      %swap3A_189 = arith.index_cast %scan3A_21 : i32 to index
      %swap3A_190 = arith.constant 896 : index
      %swap3A_191 = tpu.vector_load %arg5[%swap3A_189, %swap3A_190] {strides = array<i32>} : memref<32x1024xf32, #tpu.memory_space<vmem>>, vector<16xf32>,
      tpu.vector_store %arg5[%swap3A_189, %swap3A_190], %broadcast_in_dim3A_5 {strides = array<i32>} : memref<32x1024xf32, #tpu.memory_space<vmem>>, vector<16xf32>,
      %swap3A_192 = arith.index_cast %scan3A_21 : i32 to index
      %swap3A_193 = arith.constant 912 : index
      %swap3A_194 = tpu.vector_load %arg5[%swap3A_192, %swap3A_193] {strides = array<i32>} : memref<32x1024xf32, #tpu.memory_space<vmem>>, vector<16xf32>,
      tpu.vector_store %arg5[%swap3A_192, %swap3A_193], %broadcast_in_dim3A_5 {strides = array<i32>} : memref<32x1024xf32, #tpu.memory_space<vmem>>, vector<16xf32>,
      %swap3A_195 = arith.index_cast %scan3A_21 : i32 to index
      %swap3A_196 = arith.constant 928 : index
      %swap3A_197 = tpu.vector_load %arg5[%swap3A_195, %swap3A_196] {strides = array<i32>} : memref<32x1024xf32, #tpu.memory_space<vmem>>, vector<16xf32>,
      tpu.vector_store %arg5[%swap3A_195, %swap3A_196], %broadcast_in_dim3A_5 {strides = array<i32>} : memref<32x1024xf32, #tpu.memory_space<vmem>>, vector<16xf32>,
      %swap3A_198 = arith.index_cast %scan3A_21 : i32 to index
      %swap3A_199 = arith.constant 944 : index
      %swap3A_200 = tpu.vector_load %arg5[%swap3A_198, %swap3A_199] {strides = array<i32>} : memref<32x1024xf32, #tpu.memory_space<vmem>>, vector<16xf32>,
      tpu.vector_store %arg5[%swap3A_198, %swap3A_199], %broadcast_in_dim3A_5 {strides = array<i32>} : memref<32x1024xf32, #tpu.memory_space<vmem>>, vector<16xf32>,
      %swap3A_201 = arith.index_cast %scan3A_21 : i32 to index
      %swap3A_202 = arith.constant 960 : index
      %swap3A_203 = tpu.vector_load %arg5[%swap3A_201, %swap3A_202] {strides = array<i32>} : memref<32x1024xf32, #tpu.memory_space<vmem>>, vector<16xf32>,
      tpu.vector_store %arg5[%swap3A_201, %swap3A_202], %broadcast_in_dim3A_5 {strides = array<i32>} : memref<32x1024xf32, #tpu.memory_space<vmem>>, vector<16xf32>,
      %swap3A_204 = arith.index_cast %scan3A_21 : i32 to index
      %swap3A_205 = arith.constant 976 : index
      %swap3A_206 = tpu.vector_load %arg5[%swap3A_204, %swap3A_205] {strides = array<i32>} : memref<32x1024xf32, #tpu.memory_space<vmem>>, vector<16xf32>,
      tpu.vector_store %arg5[%swap3A_204, %swap3A_205], %broadcast_in_dim3A_5 {strides = array<i32>} : memref<32x1024xf32, #tpu.memory_space<vmem>>, vector<16xf32>,
      %swap3A_207 = arith.index_cast %scan3A_21 : i32 to index
      %swap3A_208 = arith.constant 992 : index
      %swap3A_209 = tpu.vector_load %arg5[%swap3A_207, %swap3A_208] {strides = array<i32>} : memref<32x1024xf32, #tpu.memory_space<vmem>>, vector<16xf32>,
      tpu.vector_store %arg5[%swap3A_207, %swap3A_208], %broadcast_in_dim3A_5 {strides = array<i32>} : memref<32x1024xf32, #tpu.memory_space<vmem>>, vector<16xf32>,
      %swap3A_210 = arith.index_cast %scan3A_21 : i32 to index
      %swap3A_211 = arith.constant 1008 : index
      %swap3A_212 = tpu.vector_load %arg5[%swap3A_210, %swap3A_211] {strides = array<i32>} : memref<32x1024xf32, #tpu.memory_space<vmem>>, vector<16xf32>,
      tpu.vector_store %arg5[%swap3A_210, %swap3A_211], %broadcast_in_dim3A_5 {strides = array<i32>} : memref<32x1024xf32, #tpu.memory_space<vmem>>, vector<16xf32>,
    }
    %scan3A_14 = arith.constant 32 : i32
    %scan3A_15 = arith.constant 0 : i32
    %scan3A_16 = arith.constant 0 : i32
    %scan3A_17 = arith.constant 32 : i32
    %scan3A_18 = arith.addi %scan3A_16, %scan3A_17 : i32
    %scan3A_19 = arith.constant 1 : i32
    scf.for %scan3A_21 = %scan3A_16 to %scan3A_18 step %scan3A_19  : i32 {
      %broadcast_in_dim3A_22 = vector.broadcast %scan3A_21 : i32 to vector<16xi32>
      %get3A = arith.index_cast %scan3A_21 : i32 to index
      %get3A_23 = arith.constant 0 : index
      %get3A_24 = tpu.vector_load %arg4[%get3A, %get3A_23] {strides = array<i32>} : memref<32x32xi32, #tpu.memory_space<vmem>>, vector<16xi32>,
      tpu.vector_store_idx %arg5[%broadcast_in_dim3A_22, %get3A_24], %broadcast_in_dim3A_3 masked %broadcast_in_dim3A_9 {add = true} : memref<32x1024xf32, #tpu.memory_space<vmem>>[vector<16xi32>, vector<16xi32>], vector<16xf32>, vector<16xi1>
      %get3A_25 = arith.index_cast %scan3A_21 : i32 to index
      %get3A_26 = arith.constant 16 : index
      %get3A_27 = tpu.vector_load %arg4[%get3A_25, %get3A_26] {strides = array<i32>} : memref<32x32xi32, #tpu.memory_space<vmem>>, vector<16xi32>,
      tpu.vector_store_idx %arg5[%broadcast_in_dim3A_22, %get3A_27], %broadcast_in_dim3A_3 masked %broadcast_in_dim3A_9 {add = true} : memref<32x1024xf32, #tpu.memory_space<vmem>>[vector<16xi32>, vector<16xi32>], vector<16xf32>, vector<16xi1>
      %add3A_28 = arith.addi %mul3A_2, %scan3A_21 : i32
      %broadcast_in_dim3A_29 = vector.broadcast %add3A_28 : i32 to vector<16xi32>
      tpu.vector_store_idx %arg5[%broadcast_in_dim3A_22, %broadcast_in_dim3A_29], %broadcast_in_dim3A_3 masked %eq3A_7 {add = true} : memref<32x1024xf32, #tpu.memory_space<vmem>>[vector<16xi32>, vector<16xi32>], vector<16xf32>, vector<16xi1>
    }
    %scan3A_20 = arith.constant 32 : i32
    "tpu.region"() ({
      %run_scoped3A = tpu.sem_alloc : memref<!tpu.dma_semaphore, #tpu.memory_space<semaphore_mem>>
      %dma_start3A = arith.constant 0 : i32
      %dma_start3A_21 = tpu.memref_slice %arg3[%mul3A_2, %dma_start3A] : memref<1024x1024xf32, #tpu.memory_space<hbm>> -> memref<32x1024xf32, #tpu.memory_space<hbm>>
      %dma_start3A_22 = arith.constant 0 : i32
      %dma_start3A_23 = tpu.memref_slice %arg3[%mul3A_2, %dma_start3A_22] : memref<1024x1024xf32, #tpu.memory_space<hbm>> -> memref<32x1024xf32, #tpu.memory_space<hbm>>
      tpu.enqueue_dma source(%arg5 : memref<32x1024xf32, #tpu.memory_space<vmem>>) target(%dma_start3A_23 : memref<32x1024xf32, #tpu.memory_space<hbm>>) target_semaphore(%run_scoped3A : memref<!tpu.dma_semaphore, #tpu.memory_space<semaphore_mem>>)
      %dma_wait3A = arith.constant 0 : i32
      %dma_wait3A_24 = tpu.memref_slice %arg3[%mul3A_2, %dma_wait3A] : memref<1024x1024xf32, #tpu.memory_space<hbm>> -> memref<32x1024xf32, #tpu.memory_space<hbm>>
      %dma_wait3A_25 = arith.constant 0 : i32
      %dma_wait3A_26 = tpu.memref_slice %arg3[%mul3A_2, %dma_wait3A_25] : memref<1024x1024xf32, #tpu.memory_space<hbm>> -> memref<32x1024xf32, #tpu.memory_space<hbm>>
      tpu.wait_dma2 semaphore(%run_scoped3A : memref<!tpu.dma_semaphore, #tpu.memory_space<semaphore_mem>>) src(%arg5 : memref<32x1024xf32, #tpu.memory_space<vmem>>) dst(%dma_wait3A_26 : memref<32x1024xf32, #tpu.memory_space<hbm>>)
      tpu.yield
    }) : () -> ()
    return
  }
}

module attributes {stable_mosaic.version = 14 : i64} {
  func.func @_tc_body(%arg0: i32, %arg1: i32, %arg2: memref<1024x1024xf32, #tpu.memory_space<vmem>>, %arg3: memref<1x1x8x1024x128xf32, #tpu.memory_space<vmem>>, %arg4: memref<128x128xf32, #tpu.memory_space<vmem>>, %arg5: memref<1x128xf32, #tpu.memory_space<vmem>>, %arg6: memref<128x128xf32, #tpu.memory_space<vmem>>, %arg7: memref<1x128xf32, #tpu.memory_space<vmem>>, %arg8: memref<512x128xf32, #tpu.memory_space<vmem>>, %arg9: memref<512x128xf32, #tpu.memory_space<vmem>>, %arg10: memref<1x512xf32, #tpu.memory_space<vmem>>, %arg11: memref<10x128xf32, #tpu.memory_space<vmem>>, %arg12: memref<1x10xf32, #tpu.memory_space<vmem>>, %arg13: memref<16x10xf32, #tpu.memory_space<vmem>>, %arg14: memref<1024x1024xbf16, #tpu.memory_space<vmem>>, %arg15: memref<8x16x128xf32, #tpu.memory_space<vmem>>) attributes {dimension_semantics = [#tpu.dimension_semantics<arbitrary>, #tpu.dimension_semantics<arbitrary>], iteration_bounds = array<i64: 8, 2>, scalar_prefetch = 0 : i64, scratch_operands = 2 : i64, tpu.core_type = #tpu.core_type<tc>, window_params = [{pipeline_mode = #tpu.pipeline_mode<synchronous>, transform_indices = @transform_0, window_bounds = array<i64: 1024, 1024>}, {transform_indices = @transform_1, window_bounds = array<i64: 1, 1, 8, 1024, 128>}, {pipeline_mode = #tpu.pipeline_mode<synchronous>, transform_indices = @transform_2, window_bounds = array<i64: 128, 128>}, {pipeline_mode = #tpu.pipeline_mode<synchronous>, transform_indices = @transform_3, window_bounds = array<i64: 1, 128>}, {pipeline_mode = #tpu.pipeline_mode<synchronous>, transform_indices = @transform_4, window_bounds = array<i64: 128, 128>}, {pipeline_mode = #tpu.pipeline_mode<synchronous>, transform_indices = @transform_5, window_bounds = array<i64: 1, 128>}, {pipeline_mode = #tpu.pipeline_mode<synchronous>, transform_indices = @transform_6, window_bounds = array<i64: 512, 128>}, {pipeline_mode = #tpu.pipeline_mode<synchronous>, transform_indices = @transform_7, window_bounds = array<i64: 512, 128>}, {pipeline_mode = #tpu.pipeline_mode<synchronous>, transform_indices = @transform_8, window_bounds = array<i64: 1, 512>}, {pipeline_mode = #tpu.pipeline_mode<synchronous>, transform_indices = @transform_9, window_bounds = array<i64: 10, 128>}, {pipeline_mode = #tpu.pipeline_mode<synchronous>, transform_indices = @transform_10, window_bounds = array<i64: 1, 10>}, {pipeline_mode = #tpu.pipeline_mode<synchronous>, transform_indices = @transform_11, window_bounds = array<i64: 16, 10>}]} {
    %eq3A = arith.constant 0 : i32
    %eq3A_0 = arith.cmpi eq, %arg0, %eq3A : i32
    %eq3A_1 = arith.constant 0 : i32
    %eq3A_2 = arith.cmpi eq, %arg1, %eq3A_1 : i32
    %and3A = arith.andi %eq3A_0, %eq3A_2 : i1
    %convert_element_type3A = arith.extui %and3A : i1 to i32
    %cond3A = arith.constant 0 : i32
    %cond3A_3 = arith.cmpi ne, %convert_element_type3A, %cond3A : i32
    scf.if %cond3A_3 {
      %get3A_175 = arith.constant 0 : index
      %get3A_176 = arith.constant 0 : index
      %get3A_177 = vector.load %arg2[%get3A_175, %get3A_176] : memref<1024x1024xf32, #tpu.memory_space<vmem>>, vector<1024x1024xf32>
      %convert_element_type3A_178 = arith.truncf %get3A_177 : vector<1024x1024xf32> to vector<1024x1024xbf16>
      %swap3A_179 = arith.constant 0 : index
      %swap3A_180 = arith.constant 0 : index
      %swap3A_181 = vector.load %arg14[%swap3A_179, %swap3A_180] : memref<1024x1024xbf16, #tpu.memory_space<vmem>>, vector<1024x1024xbf16>
      tpu.vector_store %arg14[%swap3A_179, %swap3A_180], %convert_element_type3A_178 {strides = array<i32>} : memref<1024x1024xbf16, #tpu.memory_space<vmem>>, vector<1024x1024xbf16>,
    } else {
    }
    %get3A = arith.constant 0 : index
    %get3A_4 = arith.constant 0 : index
    %get3A_5 = vector.load %arg14[%get3A, %get3A_4] : memref<1024x1024xbf16, #tpu.memory_space<vmem>>, vector<1024x1024xbf16>
    %get3A_6 = arith.constant 0 : index
    %get3A_7 = arith.constant 0 : index
    %get3A_8 = vector.load %arg4[%get3A_6, %get3A_7] : memref<128x128xf32, #tpu.memory_space<vmem>>, vector<128x128xf32>
    %convert_element_type3A_9 = arith.truncf %get3A_8 : vector<128x128xf32> to vector<128x128xbf16>
    %get3A_10 = arith.constant 0 : index
    %get3A_11 = arith.constant 0 : index
    %get3A_12 = vector.load %arg6[%get3A_10, %get3A_11] : memref<128x128xf32, #tpu.memory_space<vmem>>, vector<128x128xf32>
    %convert_element_type3A_13 = arith.truncf %get3A_12 : vector<128x128xf32> to vector<128x128xbf16>
    %get3A_14 = arith.constant 0 : index
    %get3A_15 = arith.constant 0 : index
    %get3A_16 = vector.load %arg5[%get3A_14, %get3A_15] : memref<1x128xf32, #tpu.memory_space<vmem>>, vector<1x128xf32>
    %concatenate3A = tpu.concatenate %get3A_16, %get3A_16, %get3A_16, %get3A_16, %get3A_16, %get3A_16, %get3A_16, %get3A_16 in 1 : vector<1x128xf32>, vector<1x128xf32>, vector<1x128xf32>, vector<1x128xf32>, vector<1x128xf32>, vector<1x128xf32>, vector<1x128xf32>, vector<1x128xf32> -> vector<1x1024xf32>
    %get3A_17 = arith.constant 0 : index
    %get3A_18 = arith.constant 0 : index
    %get3A_19 = vector.load %arg7[%get3A_17, %get3A_18] : memref<1x128xf32, #tpu.memory_space<vmem>>, vector<1x128xf32>
    %concatenate3A_20 = tpu.concatenate %get3A_19, %get3A_19, %get3A_19, %get3A_19, %get3A_19, %get3A_19, %get3A_19, %get3A_19 in 1 : vector<1x128xf32>, vector<1x128xf32>, vector<1x128xf32>, vector<1x128xf32>, vector<1x128xf32>, vector<1x128xf32>, vector<1x128xf32>, vector<1x128xf32> -> vector<1x1024xf32>
    %get3A_21 = arith.constant 0 : index
    %get3A_22 = arith.constant 0 : index
    %get3A_23 = arith.constant 0 : index
    %get3A_24 = arith.constant 0 : index
    %get3A_25 = arith.constant 0 : index
    %get3A_26 = vector.load %arg3[%get3A_21, %get3A_22, %get3A_23, %get3A_24, %get3A_25] : memref<1x1x8x1024x128xf32, #tpu.memory_space<vmem>>, vector<1x1x1x1024x128xf32>
    %get3A_27 = vector.shape_cast %get3A_26 : vector<1x1x1x1024x128xf32> to vector<1024x128xf32>
    %convert_element_type3A_28 = arith.truncf %get3A_27 : vector<1024x128xf32> to vector<1024x128xbf16>
    %dot_general3A = arith.constant dense<0.000000e+00> : vector<1024x128xf32>
    %dot_general3A_29 = tpu.matmul %convert_element_type3A_28, %convert_element_type3A_9, %dot_general3A {dimension_numbers = #tpu.dot_dimension_numbers<[1], [0], [0], [1], [0, 0, 1, 1], [], []>, transpose_lhs_hint = false} : vector<1024x128xbf16>, vector<128x128xbf16>, vector<1024x128xf32> -> vector<1024x128xf32>
    %convert_element_type3A_30 = arith.truncf %dot_general3A_29 : vector<1024x128xf32> to vector<1024x128xbf16>
    %get3A_31 = arith.constant 0 : index
    %get3A_32 = arith.constant 0 : index
    %get3A_33 = arith.constant 1 : index
    %get3A_34 = arith.constant 0 : index
    %get3A_35 = arith.constant 0 : index
    %get3A_36 = vector.load %arg3[%get3A_31, %get3A_32, %get3A_33, %get3A_34, %get3A_35] : memref<1x1x8x1024x128xf32, #tpu.memory_space<vmem>>, vector<1x1x1x1024x128xf32>
    %get3A_37 = vector.shape_cast %get3A_36 : vector<1x1x1x1024x128xf32> to vector<1024x128xf32>
    %convert_element_type3A_38 = arith.truncf %get3A_37 : vector<1024x128xf32> to vector<1024x128xbf16>
    %dot_general3A_39 = arith.constant dense<0.000000e+00> : vector<1024x128xf32>
    %dot_general3A_40 = tpu.matmul %convert_element_type3A_38, %convert_element_type3A_9, %dot_general3A_39 {dimension_numbers = #tpu.dot_dimension_numbers<[1], [0], [0], [1], [0, 0, 1, 1], [], []>, transpose_lhs_hint = false} : vector<1024x128xbf16>, vector<128x128xbf16>, vector<1024x128xf32> -> vector<1024x128xf32>
    %convert_element_type3A_41 = arith.truncf %dot_general3A_40 : vector<1024x128xf32> to vector<1024x128xbf16>
    %get3A_42 = arith.constant 0 : index
    %get3A_43 = arith.constant 0 : index
    %get3A_44 = arith.constant 2 : index
    %get3A_45 = arith.constant 0 : index
    %get3A_46 = arith.constant 0 : index
    %get3A_47 = vector.load %arg3[%get3A_42, %get3A_43, %get3A_44, %get3A_45, %get3A_46] : memref<1x1x8x1024x128xf32, #tpu.memory_space<vmem>>, vector<1x1x1x1024x128xf32>
    %get3A_48 = vector.shape_cast %get3A_47 : vector<1x1x1x1024x128xf32> to vector<1024x128xf32>
    %convert_element_type3A_49 = arith.truncf %get3A_48 : vector<1024x128xf32> to vector<1024x128xbf16>
    %dot_general3A_50 = arith.constant dense<0.000000e+00> : vector<1024x128xf32>
    %dot_general3A_51 = tpu.matmul %convert_element_type3A_49, %convert_element_type3A_9, %dot_general3A_50 {dimension_numbers = #tpu.dot_dimension_numbers<[1], [0], [0], [1], [0, 0, 1, 1], [], []>, transpose_lhs_hint = false} : vector<1024x128xbf16>, vector<128x128xbf16>, vector<1024x128xf32> -> vector<1024x128xf32>
    %convert_element_type3A_52 = arith.truncf %dot_general3A_51 : vector<1024x128xf32> to vector<1024x128xbf16>
    %get3A_53 = arith.constant 0 : index
    %get3A_54 = arith.constant 0 : index
    %get3A_55 = arith.constant 3 : index
    %get3A_56 = arith.constant 0 : index
    %get3A_57 = arith.constant 0 : index
    %get3A_58 = vector.load %arg3[%get3A_53, %get3A_54, %get3A_55, %get3A_56, %get3A_57] : memref<1x1x8x1024x128xf32, #tpu.memory_space<vmem>>, vector<1x1x1x1024x128xf32>
    %get3A_59 = vector.shape_cast %get3A_58 : vector<1x1x1x1024x128xf32> to vector<1024x128xf32>
    %convert_element_type3A_60 = arith.truncf %get3A_59 : vector<1024x128xf32> to vector<1024x128xbf16>
    %dot_general3A_61 = arith.constant dense<0.000000e+00> : vector<1024x128xf32>
    %dot_general3A_62 = tpu.matmul %convert_element_type3A_60, %convert_element_type3A_9, %dot_general3A_61 {dimension_numbers = #tpu.dot_dimension_numbers<[1], [0], [0], [1], [0, 0, 1, 1], [], []>, transpose_lhs_hint = false} : vector<1024x128xbf16>, vector<128x128xbf16>, vector<1024x128xf32> -> vector<1024x128xf32>
    %convert_element_type3A_63 = arith.truncf %dot_general3A_62 : vector<1024x128xf32> to vector<1024x128xbf16>
    %get3A_64 = arith.constant 0 : index
    %get3A_65 = arith.constant 0 : index
    %get3A_66 = arith.constant 4 : index
    %get3A_67 = arith.constant 0 : index
    %get3A_68 = arith.constant 0 : index
    %get3A_69 = vector.load %arg3[%get3A_64, %get3A_65, %get3A_66, %get3A_67, %get3A_68] : memref<1x1x8x1024x128xf32, #tpu.memory_space<vmem>>, vector<1x1x1x1024x128xf32>
    %get3A_70 = vector.shape_cast %get3A_69 : vector<1x1x1x1024x128xf32> to vector<1024x128xf32>
    %convert_element_type3A_71 = arith.truncf %get3A_70 : vector<1024x128xf32> to vector<1024x128xbf16>
    %dot_general3A_72 = arith.constant dense<0.000000e+00> : vector<1024x128xf32>
    %dot_general3A_73 = tpu.matmul %convert_element_type3A_71, %convert_element_type3A_9, %dot_general3A_72 {dimension_numbers = #tpu.dot_dimension_numbers<[1], [0], [0], [1], [0, 0, 1, 1], [], []>, transpose_lhs_hint = false} : vector<1024x128xbf16>, vector<128x128xbf16>, vector<1024x128xf32> -> vector<1024x128xf32>
    %convert_element_type3A_74 = arith.truncf %dot_general3A_73 : vector<1024x128xf32> to vector<1024x128xbf16>
    %get3A_75 = arith.constant 0 : index
    %get3A_76 = arith.constant 0 : index
    %get3A_77 = arith.constant 5 : index
    %get3A_78 = arith.constant 0 : index
    %get3A_79 = arith.constant 0 : index
    %get3A_80 = vector.load %arg3[%get3A_75, %get3A_76, %get3A_77, %get3A_78, %get3A_79] : memref<1x1x8x1024x128xf32, #tpu.memory_space<vmem>>, vector<1x1x1x1024x128xf32>
    %get3A_81 = vector.shape_cast %get3A_80 : vector<1x1x1x1024x128xf32> to vector<1024x128xf32>
    %convert_element_type3A_82 = arith.truncf %get3A_81 : vector<1024x128xf32> to vector<1024x128xbf16>
    %dot_general3A_83 = arith.constant dense<0.000000e+00> : vector<1024x128xf32>
    %dot_general3A_84 = tpu.matmul %convert_element_type3A_82, %convert_element_type3A_9, %dot_general3A_83 {dimension_numbers = #tpu.dot_dimension_numbers<[1], [0], [0], [1], [0, 0, 1, 1], [], []>, transpose_lhs_hint = false} : vector<1024x128xbf16>, vector<128x128xbf16>, vector<1024x128xf32> -> vector<1024x128xf32>
    %convert_element_type3A_85 = arith.truncf %dot_general3A_84 : vector<1024x128xf32> to vector<1024x128xbf16>
    %get3A_86 = arith.constant 0 : index
    %get3A_87 = arith.constant 0 : index
    %get3A_88 = arith.constant 6 : index
    %get3A_89 = arith.constant 0 : index
    %get3A_90 = arith.constant 0 : index
    %get3A_91 = vector.load %arg3[%get3A_86, %get3A_87, %get3A_88, %get3A_89, %get3A_90] : memref<1x1x8x1024x128xf32, #tpu.memory_space<vmem>>, vector<1x1x1x1024x128xf32>
    %get3A_92 = vector.shape_cast %get3A_91 : vector<1x1x1x1024x128xf32> to vector<1024x128xf32>
    %convert_element_type3A_93 = arith.truncf %get3A_92 : vector<1024x128xf32> to vector<1024x128xbf16>
    %dot_general3A_94 = arith.constant dense<0.000000e+00> : vector<1024x128xf32>
    %dot_general3A_95 = tpu.matmul %convert_element_type3A_93, %convert_element_type3A_9, %dot_general3A_94 {dimension_numbers = #tpu.dot_dimension_numbers<[1], [0], [0], [1], [0, 0, 1, 1], [], []>, transpose_lhs_hint = false} : vector<1024x128xbf16>, vector<128x128xbf16>, vector<1024x128xf32> -> vector<1024x128xf32>
    %convert_element_type3A_96 = arith.truncf %dot_general3A_95 : vector<1024x128xf32> to vector<1024x128xbf16>
    %get3A_97 = arith.constant 0 : index
    %get3A_98 = arith.constant 0 : index
    %get3A_99 = arith.constant 7 : index
    %get3A_100 = arith.constant 0 : index
    %get3A_101 = arith.constant 0 : index
    %get3A_102 = vector.load %arg3[%get3A_97, %get3A_98, %get3A_99, %get3A_100, %get3A_101] : memref<1x1x8x1024x128xf32, #tpu.memory_space<vmem>>, vector<1x1x1x1024x128xf32>
    %get3A_103 = vector.shape_cast %get3A_102 : vector<1x1x1x1024x128xf32> to vector<1024x128xf32>
    %convert_element_type3A_104 = arith.truncf %get3A_103 : vector<1024x128xf32> to vector<1024x128xbf16>
    %dot_general3A_105 = arith.constant dense<0.000000e+00> : vector<1024x128xf32>
    %dot_general3A_106 = tpu.matmul %convert_element_type3A_104, %convert_element_type3A_9, %dot_general3A_105 {dimension_numbers = #tpu.dot_dimension_numbers<[1], [0], [0], [1], [0, 0, 1, 1], [], []>, transpose_lhs_hint = false} : vector<1024x128xbf16>, vector<128x128xbf16>, vector<1024x128xf32> -> vector<1024x128xf32>
    %convert_element_type3A_107 = arith.truncf %dot_general3A_106 : vector<1024x128xf32> to vector<1024x128xbf16>
    %concatenate3A_108 = tpu.concatenate %convert_element_type3A_30, %convert_element_type3A_41, %convert_element_type3A_52, %convert_element_type3A_63, %convert_element_type3A_74, %convert_element_type3A_85, %convert_element_type3A_96, %convert_element_type3A_107 in 1 : vector<1024x128xbf16>, vector<1024x128xbf16>, vector<1024x128xbf16>, vector<1024x128xbf16>, vector<1024x128xbf16>, vector<1024x128xbf16>, vector<1024x128xbf16>, vector<1024x128xbf16> -> vector<1024x1024xbf16>
    %dot_general3A_109 = arith.constant dense<0.000000e+00> : vector<1024x1024xf32>
    %dot_general3A_110 = tpu.matmul %get3A_5, %concatenate3A_108, %dot_general3A_109 {dimension_numbers = #tpu.dot_dimension_numbers<[1], [0], [0], [1], [0, 0, 1, 1], [], []>, transpose_lhs_hint = false} : vector<1024x1024xbf16>, vector<1024x1024xbf16>, vector<1024x1024xf32> -> vector<1024x1024xf32>
    %mul3A = arith.constant 0.0303030312 : f32
    %mul3A_111 = vector.broadcast %mul3A : f32 to vector<1024x1024xf32>
    %mul3A_112 = arith.mulf %dot_general3A_110, %mul3A_111 : vector<1024x1024xf32>
    %add3A = vector.broadcast %concatenate3A : vector<1x1024xf32> to vector<1024x1024xf32>
    %add3A_113 = arith.addf %mul3A_112, %add3A : vector<1024x1024xf32>
    %max3A = arith.constant 0.000000e+00 : f32
    %max3A_114 = vector.broadcast %max3A : f32 to vector<1024x1024xf32>
    %max3A_115 = arith.maximumf %add3A_113, %max3A_114 : vector<1024x1024xf32>
    %convert_element_type3A_116 = arith.truncf %max3A_115 : vector<1024x1024xf32> to vector<1024x1024xbf16>
    %slice3A = vector.extract_strided_slice %convert_element_type3A_116 {offsets = [0, 0], sizes = [1024, 128], strides = [1, 1]} : vector<1024x1024xbf16> to vector<1024x128xbf16>
    %dot_general3A_117 = arith.constant dense<0.000000e+00> : vector<1024x128xf32>
    %dot_general3A_118 = tpu.matmul %slice3A, %convert_element_type3A_13, %dot_general3A_117 {dimension_numbers = #tpu.dot_dimension_numbers<[1], [0], [0], [1], [0, 0, 1, 1], [], []>, transpose_lhs_hint = false} : vector<1024x128xbf16>, vector<128x128xbf16>, vector<1024x128xf32> -> vector<1024x128xf32>
    %convert_element_type3A_119 = arith.truncf %dot_general3A_118 : vector<1024x128xf32> to vector<1024x128xbf16>
    %slice3A_120 = vector.extract_strided_slice %convert_element_type3A_116 {offsets = [0, 128], sizes = [1024, 128], strides = [1, 1]} : vector<1024x1024xbf16> to vector<1024x128xbf16>
    %dot_general3A_121 = arith.constant dense<0.000000e+00> : vector<1024x128xf32>
    %dot_general3A_122 = tpu.matmul %slice3A_120, %convert_element_type3A_13, %dot_general3A_121 {dimension_numbers = #tpu.dot_dimension_numbers<[1], [0], [0], [1], [0, 0, 1, 1], [], []>, transpose_lhs_hint = false} : vector<1024x128xbf16>, vector<128x128xbf16>, vector<1024x128xf32> -> vector<1024x128xf32>
    %convert_element_type3A_123 = arith.truncf %dot_general3A_122 : vector<1024x128xf32> to vector<1024x128xbf16>
    %slice3A_124 = vector.extract_strided_slice %convert_element_type3A_116 {offsets = [0, 256], sizes = [1024, 128], strides = [1, 1]} : vector<1024x1024xbf16> to vector<1024x128xbf16>
    %dot_general3A_125 = arith.constant dense<0.000000e+00> : vector<1024x128xf32>
    %dot_general3A_126 = tpu.matmul %slice3A_124, %convert_element_type3A_13, %dot_general3A_125 {dimension_numbers = #tpu.dot_dimension_numbers<[1], [0], [0], [1], [0, 0, 1, 1], [], []>, transpose_lhs_hint = false} : vector<1024x128xbf16>, vector<128x128xbf16>, vector<1024x128xf32> -> vector<1024x128xf32>
    %convert_element_type3A_127 = arith.truncf %dot_general3A_126 : vector<1024x128xf32> to vector<1024x128xbf16>
    %slice3A_128 = vector.extract_strided_slice %convert_element_type3A_116 {offsets = [0, 384], sizes = [1024, 128], strides = [1, 1]} : vector<1024x1024xbf16> to vector<1024x128xbf16>
    %dot_general3A_129 = arith.constant dense<0.000000e+00> : vector<1024x128xf32>
    %dot_general3A_130 = tpu.matmul %slice3A_128, %convert_element_type3A_13, %dot_general3A_129 {dimension_numbers = #tpu.dot_dimension_numbers<[1], [0], [0], [1], [0, 0, 1, 1], [], []>, transpose_lhs_hint = false} : vector<1024x128xbf16>, vector<128x128xbf16>, vector<1024x128xf32> -> vector<1024x128xf32>
    %convert_element_type3A_131 = arith.truncf %dot_general3A_130 : vector<1024x128xf32> to vector<1024x128xbf16>
    %slice3A_132 = vector.extract_strided_slice %convert_element_type3A_116 {offsets = [0, 512], sizes = [1024, 128], strides = [1, 1]} : vector<1024x1024xbf16> to vector<1024x128xbf16>
    %dot_general3A_133 = arith.constant dense<0.000000e+00> : vector<1024x128xf32>
    %dot_general3A_134 = tpu.matmul %slice3A_132, %convert_element_type3A_13, %dot_general3A_133 {dimension_numbers = #tpu.dot_dimension_numbers<[1], [0], [0], [1], [0, 0, 1, 1], [], []>, transpose_lhs_hint = false} : vector<1024x128xbf16>, vector<128x128xbf16>, vector<1024x128xf32> -> vector<1024x128xf32>
    %convert_element_type3A_135 = arith.truncf %dot_general3A_134 : vector<1024x128xf32> to vector<1024x128xbf16>
    %slice3A_136 = vector.extract_strided_slice %convert_element_type3A_116 {offsets = [0, 640], sizes = [1024, 128], strides = [1, 1]} : vector<1024x1024xbf16> to vector<1024x128xbf16>
    %dot_general3A_137 = arith.constant dense<0.000000e+00> : vector<1024x128xf32>
    %dot_general3A_138 = tpu.matmul %slice3A_136, %convert_element_type3A_13, %dot_general3A_137 {dimension_numbers = #tpu.dot_dimension_numbers<[1], [0], [0], [1], [0, 0, 1, 1], [], []>, transpose_lhs_hint = false} : vector<1024x128xbf16>, vector<128x128xbf16>, vector<1024x128xf32> -> vector<1024x128xf32>
    %convert_element_type3A_139 = arith.truncf %dot_general3A_138 : vector<1024x128xf32> to vector<1024x128xbf16>
    %slice3A_140 = vector.extract_strided_slice %convert_element_type3A_116 {offsets = [0, 768], sizes = [1024, 128], strides = [1, 1]} : vector<1024x1024xbf16> to vector<1024x128xbf16>
    %dot_general3A_141 = arith.constant dense<0.000000e+00> : vector<1024x128xf32>
    %dot_general3A_142 = tpu.matmul %slice3A_140, %convert_element_type3A_13, %dot_general3A_141 {dimension_numbers = #tpu.dot_dimension_numbers<[1], [0], [0], [1], [0, 0, 1, 1], [], []>, transpose_lhs_hint = false} : vector<1024x128xbf16>, vector<128x128xbf16>, vector<1024x128xf32> -> vector<1024x128xf32>
    %convert_element_type3A_143 = arith.truncf %dot_general3A_142 : vector<1024x128xf32> to vector<1024x128xbf16>
    %slice3A_144 = vector.extract_strided_slice %convert_element_type3A_116 {offsets = [0, 896], sizes = [1024, 128], strides = [1, 1]} : vector<1024x1024xbf16> to vector<1024x128xbf16>
    %dot_general3A_145 = arith.constant dense<0.000000e+00> : vector<1024x128xf32>
    %dot_general3A_146 = tpu.matmul %slice3A_144, %convert_element_type3A_13, %dot_general3A_145 {dimension_numbers = #tpu.dot_dimension_numbers<[1], [0], [0], [1], [0, 0, 1, 1], [], []>, transpose_lhs_hint = false} : vector<1024x128xbf16>, vector<128x128xbf16>, vector<1024x128xf32> -> vector<1024x128xf32>
    %convert_element_type3A_147 = arith.truncf %dot_general3A_146 : vector<1024x128xf32> to vector<1024x128xbf16>
    %concatenate3A_148 = tpu.concatenate %convert_element_type3A_119, %convert_element_type3A_123, %convert_element_type3A_127, %convert_element_type3A_131, %convert_element_type3A_135, %convert_element_type3A_139, %convert_element_type3A_143, %convert_element_type3A_147 in 1 : vector<1024x128xbf16>, vector<1024x128xbf16>, vector<1024x128xbf16>, vector<1024x128xbf16>, vector<1024x128xbf16>, vector<1024x128xbf16>, vector<1024x128xbf16>, vector<1024x128xbf16> -> vector<1024x1024xbf16>
    %dot_general3A_149 = arith.constant dense<0.000000e+00> : vector<1024x1024xf32>
    %dot_general3A_150 = tpu.matmul %get3A_5, %concatenate3A_148, %dot_general3A_149 {dimension_numbers = #tpu.dot_dimension_numbers<[1], [0], [0], [1], [0, 0, 1, 1], [], []>, transpose_lhs_hint = false} : vector<1024x1024xbf16>, vector<1024x1024xbf16>, vector<1024x1024xf32> -> vector<1024x1024xf32>
    %mul3A_151 = arith.constant 0.0303030312 : f32
    %mul3A_152 = vector.broadcast %mul3A_151 : f32 to vector<1024x1024xf32>
    %mul3A_153 = arith.mulf %dot_general3A_150, %mul3A_152 : vector<1024x1024xf32>
    %add3A_154 = vector.broadcast %concatenate3A_20 : vector<1x1024xf32> to vector<1024x1024xf32>
    %add3A_155 = arith.addf %mul3A_153, %add3A_154 : vector<1024x1024xf32>
    %max3A_156 = arith.constant 0.000000e+00 : f32
    %max3A_157 = vector.broadcast %max3A_156 : f32 to vector<1024x1024xf32>
    %max3A_158 = arith.maximumf %add3A_155, %max3A_157 : vector<1024x1024xf32>
    %reduce_sum3A = arith.constant dense<0.000000e+00> : vector<1024xf32>
    %reduce_sum3A_159 = vector.multi_reduction <add>, %max3A_158, %reduce_sum3A [0] : vector<1024x1024xf32> to vector<1024xf32>
    %reshape3A = vector.shape_cast %reduce_sum3A_159 : vector<1024xf32> to vector<8x128xf32>
    %mul3A_160 = arith.constant 8 : i32
    %mul3A_161 = arith.muli %arg1, %mul3A_160 : i32
    %swap3A = arith.index_cast %arg0 : i32 to index
    %swap3A_162 = arith.index_cast %mul3A_161 : i32 to index
    %swap3A_163 = arith.constant 0 : index
    %swap3A_164 = vector.load %arg15[%swap3A, %swap3A_162, %swap3A_163] : memref<8x16x128xf32, #tpu.memory_space<vmem>>, vector<1x8x128xf32>
    %swap3A_165 = vector.shape_cast %swap3A_164 : vector<1x8x128xf32> to vector<8x128xf32>
    %swap3A_166 = vector.shape_cast %reshape3A : vector<8x128xf32> to vector<1x8x128xf32>
    tpu.vector_store %arg15[%swap3A, %swap3A_162, %swap3A_163], %swap3A_166 {strides = array<i32>} : memref<8x16x128xf32, #tpu.memory_space<vmem>>, vector<1x8x128xf32>,
    %eq3A_167 = arith.constant 7 : i32
    %eq3A_168 = arith.cmpi eq, %arg0, %eq3A_167 : i32
    %eq3A_169 = arith.constant 1 : i32
    %eq3A_170 = arith.cmpi eq, %arg1, %eq3A_169 : i32
    %and3A_171 = arith.andi %eq3A_168, %eq3A_170 : i1
    %convert_element_type3A_172 = arith.extui %and3A_171 : i1 to i32
    %cond3A_173 = arith.constant 0 : i32
    %cond3A_174 = arith.cmpi ne, %convert_element_type3A_172, %cond3A_173 : i32
    scf.if %cond3A_174 {
      %get3A_175 = arith.constant 0 : index
      %get3A_176 = arith.constant 0 : index
      %get3A_177 = vector.load %arg10[%get3A_175, %get3A_176] : memref<1x512xf32, #tpu.memory_space<vmem>>, vector<1x512xf32>
      %broadcast_in_dim3A = arith.constant 0.000000e+00 : f32
      %broadcast_in_dim3A_178 = vector.broadcast %broadcast_in_dim3A : f32 to vector<16x128xf32>
      %broadcast_in_dim3A_179 = arith.constant 0.000000e+00 : f32
      %broadcast_in_dim3A_180 = vector.broadcast %broadcast_in_dim3A_179 : f32 to vector<16x128xf32>
      %get3A_181 = arith.constant 0 : index
      %get3A_182 = arith.constant 0 : index
      %get3A_183 = arith.constant 0 : index
      %get3A_184 = vector.load %arg15[%get3A_181, %get3A_182, %get3A_183] : memref<8x16x128xf32, #tpu.memory_space<vmem>>, vector<1x16x128xf32>
      %get3A_185 = vector.shape_cast %get3A_184 : vector<1x16x128xf32> to vector<16x128xf32>
      %get3A_186 = arith.constant 0 : index
      %get3A_187 = arith.constant 0 : index
      %get3A_188 = vector.load %arg8[%get3A_186, %get3A_187] : memref<512x128xf32, #tpu.memory_space<vmem>>, vector<512x128xf32>
      %dot_general3A_189 = arith.constant dense<0.000000e+00> : vector<16x512xf32>
      %dot_general3A_190 = tpu.matmul %get3A_185, %get3A_188, %dot_general3A_189 {dimension_numbers = #tpu.dot_dimension_numbers<[1], [1], [0], [0], [0, 0, 1, 0], [], []>, transpose_lhs_hint = false} : vector<16x128xf32>, vector<512x128xf32>, vector<16x512xf32> -> vector<16x512xf32>
      %get3A_191 = arith.constant 0 : index
      %get3A_192 = arith.constant 0 : index
      %get3A_193 = vector.load %arg9[%get3A_191, %get3A_192] : memref<512x128xf32, #tpu.memory_space<vmem>>, vector<512x128xf32>
      %dot_general3A_194 = arith.constant dense<0.000000e+00> : vector<16x512xf32>
      %dot_general3A_195 = tpu.matmul %broadcast_in_dim3A_178, %get3A_193, %dot_general3A_194 {dimension_numbers = #tpu.dot_dimension_numbers<[1], [1], [0], [0], [0, 0, 1, 0], [], []>, transpose_lhs_hint = false} : vector<16x128xf32>, vector<512x128xf32>, vector<16x512xf32> -> vector<16x512xf32>
      %add3A_196 = arith.addf %dot_general3A_190, %dot_general3A_195 : vector<16x512xf32>
      %add3A_197 = vector.broadcast %get3A_177 : vector<1x512xf32> to vector<16x512xf32>
      %add3A_198 = arith.addf %add3A_196, %add3A_197 : vector<16x512xf32>
      %slice3A_199 = vector.extract_strided_slice %add3A_198 {offsets = [0, 0], sizes = [16, 128], strides = [1, 1]} : vector<16x512xf32> to vector<16x128xf32>
      %logistic3A = arith.negf %slice3A_199 : vector<16x128xf32>
      %logistic3A_200 = math.exp %logistic3A : vector<16x128xf32>
      %logistic3A_201 = arith.constant 1.000000e+00 : f32
      %logistic3A_202 = vector.broadcast %logistic3A_201 : f32 to vector<16x128xf32>
      %logistic3A_203 = arith.addf %logistic3A_202, %logistic3A_200 : vector<16x128xf32>
      %logistic3A_204 = arith.divf %logistic3A_202, %logistic3A_203 : vector<16x128xf32>
      %slice3A_205 = vector.extract_strided_slice %add3A_198 {offsets = [0, 128], sizes = [16, 128], strides = [1, 1]} : vector<16x512xf32> to vector<16x128xf32>
      %logistic3A_206 = arith.negf %slice3A_205 : vector<16x128xf32>
      %logistic3A_207 = math.exp %logistic3A_206 : vector<16x128xf32>
      %logistic3A_208 = arith.constant 1.000000e+00 : f32
      %logistic3A_209 = vector.broadcast %logistic3A_208 : f32 to vector<16x128xf32>
      %logistic3A_210 = arith.addf %logistic3A_209, %logistic3A_207 : vector<16x128xf32>
      %logistic3A_211 = arith.divf %logistic3A_209, %logistic3A_210 : vector<16x128xf32>
      %slice3A_212 = vector.extract_strided_slice %add3A_198 {offsets = [0, 256], sizes = [16, 128], strides = [1, 1]} : vector<16x512xf32> to vector<16x128xf32>
      %tanh3A = math.tanh %slice3A_212 : vector<16x128xf32>
      %slice3A_213 = vector.extract_strided_slice %add3A_198 {offsets = [0, 384], sizes = [16, 128], strides = [1, 1]} : vector<16x512xf32> to vector<16x128xf32>
      %logistic3A_214 = arith.negf %slice3A_213 : vector<16x128xf32>
      %logistic3A_215 = math.exp %logistic3A_214 : vector<16x128xf32>
      %logistic3A_216 = arith.constant 1.000000e+00 : f32
      %logistic3A_217 = vector.broadcast %logistic3A_216 : f32 to vector<16x128xf32>
      %logistic3A_218 = arith.addf %logistic3A_217, %logistic3A_215 : vector<16x128xf32>
      %logistic3A_219 = arith.divf %logistic3A_217, %logistic3A_218 : vector<16x128xf32>
      %mul3A_220 = arith.mulf %logistic3A_211, %broadcast_in_dim3A_180 : vector<16x128xf32>
      %mul3A_221 = arith.mulf %logistic3A_204, %tanh3A : vector<16x128xf32>
      %add3A_222 = arith.addf %mul3A_220, %mul3A_221 : vector<16x128xf32>
      %tanh3A_223 = math.tanh %add3A_222 : vector<16x128xf32>
      %mul3A_224 = arith.mulf %logistic3A_219, %tanh3A_223 : vector<16x128xf32>
      %get3A_225 = arith.constant 1 : index
      %get3A_226 = arith.constant 0 : index
      %get3A_227 = arith.constant 0 : index
      %get3A_228 = vector.load %arg15[%get3A_225, %get3A_226, %get3A_227] : memref<8x16x128xf32, #tpu.memory_space<vmem>>, vector<1x16x128xf32>
      %get3A_229 = vector.shape_cast %get3A_228 : vector<1x16x128xf32> to vector<16x128xf32>
      %get3A_230 = arith.constant 0 : index
      %get3A_231 = arith.constant 0 : index
      %get3A_232 = vector.load %arg8[%get3A_230, %get3A_231] : memref<512x128xf32, #tpu.memory_space<vmem>>, vector<512x128xf32>
      %dot_general3A_233 = arith.constant dense<0.000000e+00> : vector<16x512xf32>
      %dot_general3A_234 = tpu.matmul %get3A_229, %get3A_232, %dot_general3A_233 {dimension_numbers = #tpu.dot_dimension_numbers<[1], [1], [0], [0], [0, 0, 1, 0], [], []>, transpose_lhs_hint = false} : vector<16x128xf32>, vector<512x128xf32>, vector<16x512xf32> -> vector<16x512xf32>
      %get3A_235 = arith.constant 0 : index
      %get3A_236 = arith.constant 0 : index
      %get3A_237 = vector.load %arg9[%get3A_235, %get3A_236] : memref<512x128xf32, #tpu.memory_space<vmem>>, vector<512x128xf32>
      %dot_general3A_238 = arith.constant dense<0.000000e+00> : vector<16x512xf32>
      %dot_general3A_239 = tpu.matmul %mul3A_224, %get3A_237, %dot_general3A_238 {dimension_numbers = #tpu.dot_dimension_numbers<[1], [1], [0], [0], [0, 0, 1, 0], [], []>, transpose_lhs_hint = false} : vector<16x128xf32>, vector<512x128xf32>, vector<16x512xf32> -> vector<16x512xf32>
      %add3A_240 = arith.addf %dot_general3A_234, %dot_general3A_239 : vector<16x512xf32>
      %add3A_241 = vector.broadcast %get3A_177 : vector<1x512xf32> to vector<16x512xf32>
      %add3A_242 = arith.addf %add3A_240, %add3A_241 : vector<16x512xf32>
      %slice3A_243 = vector.extract_strided_slice %add3A_242 {offsets = [0, 0], sizes = [16, 128], strides = [1, 1]} : vector<16x512xf32> to vector<16x128xf32>
      %logistic3A_244 = arith.negf %slice3A_243 : vector<16x128xf32>
      %logistic3A_245 = math.exp %logistic3A_244 : vector<16x128xf32>
      %logistic3A_246 = arith.constant 1.000000e+00 : f32
      %logistic3A_247 = vector.broadcast %logistic3A_246 : f32 to vector<16x128xf32>
      %logistic3A_248 = arith.addf %logistic3A_247, %logistic3A_245 : vector<16x128xf32>
      %logistic3A_249 = arith.divf %logistic3A_247, %logistic3A_248 : vector<16x128xf32>
      %slice3A_250 = vector.extract_strided_slice %add3A_242 {offsets = [0, 128], sizes = [16, 128], strides = [1, 1]} : vector<16x512xf32> to vector<16x128xf32>
      %logistic3A_251 = arith.negf %slice3A_250 : vector<16x128xf32>
      %logistic3A_252 = math.exp %logistic3A_251 : vector<16x128xf32>
      %logistic3A_253 = arith.constant 1.000000e+00 : f32
      %logistic3A_254 = vector.broadcast %logistic3A_253 : f32 to vector<16x128xf32>
      %logistic3A_255 = arith.addf %logistic3A_254, %logistic3A_252 : vector<16x128xf32>
      %logistic3A_256 = arith.divf %logistic3A_254, %logistic3A_255 : vector<16x128xf32>
      %slice3A_257 = vector.extract_strided_slice %add3A_242 {offsets = [0, 256], sizes = [16, 128], strides = [1, 1]} : vector<16x512xf32> to vector<16x128xf32>
      %tanh3A_258 = math.tanh %slice3A_257 : vector<16x128xf32>
      %slice3A_259 = vector.extract_strided_slice %add3A_242 {offsets = [0, 384], sizes = [16, 128], strides = [1, 1]} : vector<16x512xf32> to vector<16x128xf32>
      %logistic3A_260 = arith.negf %slice3A_259 : vector<16x128xf32>
      %logistic3A_261 = math.exp %logistic3A_260 : vector<16x128xf32>
      %logistic3A_262 = arith.constant 1.000000e+00 : f32
      %logistic3A_263 = vector.broadcast %logistic3A_262 : f32 to vector<16x128xf32>
      %logistic3A_264 = arith.addf %logistic3A_263, %logistic3A_261 : vector<16x128xf32>
      %logistic3A_265 = arith.divf %logistic3A_263, %logistic3A_264 : vector<16x128xf32>
      %mul3A_266 = arith.mulf %logistic3A_256, %add3A_222 : vector<16x128xf32>
      %mul3A_267 = arith.mulf %logistic3A_249, %tanh3A_258 : vector<16x128xf32>
      %add3A_268 = arith.addf %mul3A_266, %mul3A_267 : vector<16x128xf32>
      %tanh3A_269 = math.tanh %add3A_268 : vector<16x128xf32>
      %mul3A_270 = arith.mulf %logistic3A_265, %tanh3A_269 : vector<16x128xf32>
      %get3A_271 = arith.constant 2 : index
      %get3A_272 = arith.constant 0 : index
      %get3A_273 = arith.constant 0 : index
      %get3A_274 = vector.load %arg15[%get3A_271, %get3A_272, %get3A_273] : memref<8x16x128xf32, #tpu.memory_space<vmem>>, vector<1x16x128xf32>
      %get3A_275 = vector.shape_cast %get3A_274 : vector<1x16x128xf32> to vector<16x128xf32>
      %get3A_276 = arith.constant 0 : index
      %get3A_277 = arith.constant 0 : index
      %get3A_278 = vector.load %arg8[%get3A_276, %get3A_277] : memref<512x128xf32, #tpu.memory_space<vmem>>, vector<512x128xf32>
      %dot_general3A_279 = arith.constant dense<0.000000e+00> : vector<16x512xf32>
      %dot_general3A_280 = tpu.matmul %get3A_275, %get3A_278, %dot_general3A_279 {dimension_numbers = #tpu.dot_dimension_numbers<[1], [1], [0], [0], [0, 0, 1, 0], [], []>, transpose_lhs_hint = false} : vector<16x128xf32>, vector<512x128xf32>, vector<16x512xf32> -> vector<16x512xf32>
      %get3A_281 = arith.constant 0 : index
      %get3A_282 = arith.constant 0 : index
      %get3A_283 = vector.load %arg9[%get3A_281, %get3A_282] : memref<512x128xf32, #tpu.memory_space<vmem>>, vector<512x128xf32>
      %dot_general3A_284 = arith.constant dense<0.000000e+00> : vector<16x512xf32>
      %dot_general3A_285 = tpu.matmul %mul3A_270, %get3A_283, %dot_general3A_284 {dimension_numbers = #tpu.dot_dimension_numbers<[1], [1], [0], [0], [0, 0, 1, 0], [], []>, transpose_lhs_hint = false} : vector<16x128xf32>, vector<512x128xf32>, vector<16x512xf32> -> vector<16x512xf32>
      %add3A_286 = arith.addf %dot_general3A_280, %dot_general3A_285 : vector<16x512xf32>
      %add3A_287 = vector.broadcast %get3A_177 : vector<1x512xf32> to vector<16x512xf32>
      %add3A_288 = arith.addf %add3A_286, %add3A_287 : vector<16x512xf32>
      %slice3A_289 = vector.extract_strided_slice %add3A_288 {offsets = [0, 0], sizes = [16, 128], strides = [1, 1]} : vector<16x512xf32> to vector<16x128xf32>
      %logistic3A_290 = arith.negf %slice3A_289 : vector<16x128xf32>
      %logistic3A_291 = math.exp %logistic3A_290 : vector<16x128xf32>
      %logistic3A_292 = arith.constant 1.000000e+00 : f32
      %logistic3A_293 = vector.broadcast %logistic3A_292 : f32 to vector<16x128xf32>
      %logistic3A_294 = arith.addf %logistic3A_293, %logistic3A_291 : vector<16x128xf32>
      %logistic3A_295 = arith.divf %logistic3A_293, %logistic3A_294 : vector<16x128xf32>
      %slice3A_296 = vector.extract_strided_slice %add3A_288 {offsets = [0, 128], sizes = [16, 128], strides = [1, 1]} : vector<16x512xf32> to vector<16x128xf32>
      %logistic3A_297 = arith.negf %slice3A_296 : vector<16x128xf32>
      %logistic3A_298 = math.exp %logistic3A_297 : vector<16x128xf32>
      %logistic3A_299 = arith.constant 1.000000e+00 : f32
      %logistic3A_300 = vector.broadcast %logistic3A_299 : f32 to vector<16x128xf32>
      %logistic3A_301 = arith.addf %logistic3A_300, %logistic3A_298 : vector<16x128xf32>
      %logistic3A_302 = arith.divf %logistic3A_300, %logistic3A_301 : vector<16x128xf32>
      %slice3A_303 = vector.extract_strided_slice %add3A_288 {offsets = [0, 256], sizes = [16, 128], strides = [1, 1]} : vector<16x512xf32> to vector<16x128xf32>
      %tanh3A_304 = math.tanh %slice3A_303 : vector<16x128xf32>
      %slice3A_305 = vector.extract_strided_slice %add3A_288 {offsets = [0, 384], sizes = [16, 128], strides = [1, 1]} : vector<16x512xf32> to vector<16x128xf32>
      %logistic3A_306 = arith.negf %slice3A_305 : vector<16x128xf32>
      %logistic3A_307 = math.exp %logistic3A_306 : vector<16x128xf32>
      %logistic3A_308 = arith.constant 1.000000e+00 : f32
      %logistic3A_309 = vector.broadcast %logistic3A_308 : f32 to vector<16x128xf32>
      %logistic3A_310 = arith.addf %logistic3A_309, %logistic3A_307 : vector<16x128xf32>
      %logistic3A_311 = arith.divf %logistic3A_309, %logistic3A_310 : vector<16x128xf32>
      %mul3A_312 = arith.mulf %logistic3A_302, %add3A_268 : vector<16x128xf32>
      %mul3A_313 = arith.mulf %logistic3A_295, %tanh3A_304 : vector<16x128xf32>
      %add3A_314 = arith.addf %mul3A_312, %mul3A_313 : vector<16x128xf32>
      %tanh3A_315 = math.tanh %add3A_314 : vector<16x128xf32>
      %mul3A_316 = arith.mulf %logistic3A_311, %tanh3A_315 : vector<16x128xf32>
      %get3A_317 = arith.constant 3 : index
      %get3A_318 = arith.constant 0 : index
      %get3A_319 = arith.constant 0 : index
      %get3A_320 = vector.load %arg15[%get3A_317, %get3A_318, %get3A_319] : memref<8x16x128xf32, #tpu.memory_space<vmem>>, vector<1x16x128xf32>
      %get3A_321 = vector.shape_cast %get3A_320 : vector<1x16x128xf32> to vector<16x128xf32>
      %get3A_322 = arith.constant 0 : index
      %get3A_323 = arith.constant 0 : index
      %get3A_324 = vector.load %arg8[%get3A_322, %get3A_323] : memref<512x128xf32, #tpu.memory_space<vmem>>, vector<512x128xf32>
      %dot_general3A_325 = arith.constant dense<0.000000e+00> : vector<16x512xf32>
      %dot_general3A_326 = tpu.matmul %get3A_321, %get3A_324, %dot_general3A_325 {dimension_numbers = #tpu.dot_dimension_numbers<[1], [1], [0], [0], [0, 0, 1, 0], [], []>, transpose_lhs_hint = false} : vector<16x128xf32>, vector<512x128xf32>, vector<16x512xf32> -> vector<16x512xf32>
      %get3A_327 = arith.constant 0 : index
      %get3A_328 = arith.constant 0 : index
      %get3A_329 = vector.load %arg9[%get3A_327, %get3A_328] : memref<512x128xf32, #tpu.memory_space<vmem>>, vector<512x128xf32>
      %dot_general3A_330 = arith.constant dense<0.000000e+00> : vector<16x512xf32>
      %dot_general3A_331 = tpu.matmul %mul3A_316, %get3A_329, %dot_general3A_330 {dimension_numbers = #tpu.dot_dimension_numbers<[1], [1], [0], [0], [0, 0, 1, 0], [], []>, transpose_lhs_hint = false} : vector<16x128xf32>, vector<512x128xf32>, vector<16x512xf32> -> vector<16x512xf32>
      %add3A_332 = arith.addf %dot_general3A_326, %dot_general3A_331 : vector<16x512xf32>
      %add3A_333 = vector.broadcast %get3A_177 : vector<1x512xf32> to vector<16x512xf32>
      %add3A_334 = arith.addf %add3A_332, %add3A_333 : vector<16x512xf32>
      %slice3A_335 = vector.extract_strided_slice %add3A_334 {offsets = [0, 0], sizes = [16, 128], strides = [1, 1]} : vector<16x512xf32> to vector<16x128xf32>
      %logistic3A_336 = arith.negf %slice3A_335 : vector<16x128xf32>
      %logistic3A_337 = math.exp %logistic3A_336 : vector<16x128xf32>
      %logistic3A_338 = arith.constant 1.000000e+00 : f32
      %logistic3A_339 = vector.broadcast %logistic3A_338 : f32 to vector<16x128xf32>
      %logistic3A_340 = arith.addf %logistic3A_339, %logistic3A_337 : vector<16x128xf32>
      %logistic3A_341 = arith.divf %logistic3A_339, %logistic3A_340 : vector<16x128xf32>
      %slice3A_342 = vector.extract_strided_slice %add3A_334 {offsets = [0, 128], sizes = [16, 128], strides = [1, 1]} : vector<16x512xf32> to vector<16x128xf32>
      %logistic3A_343 = arith.negf %slice3A_342 : vector<16x128xf32>
      %logistic3A_344 = math.exp %logistic3A_343 : vector<16x128xf32>
      %logistic3A_345 = arith.constant 1.000000e+00 : f32
      %logistic3A_346 = vector.broadcast %logistic3A_345 : f32 to vector<16x128xf32>
      %logistic3A_347 = arith.addf %logistic3A_346, %logistic3A_344 : vector<16x128xf32>
      %logistic3A_348 = arith.divf %logistic3A_346, %logistic3A_347 : vector<16x128xf32>
      %slice3A_349 = vector.extract_strided_slice %add3A_334 {offsets = [0, 256], sizes = [16, 128], strides = [1, 1]} : vector<16x512xf32> to vector<16x128xf32>
      %tanh3A_350 = math.tanh %slice3A_349 : vector<16x128xf32>
      %slice3A_351 = vector.extract_strided_slice %add3A_334 {offsets = [0, 384], sizes = [16, 128], strides = [1, 1]} : vector<16x512xf32> to vector<16x128xf32>
      %logistic3A_352 = arith.negf %slice3A_351 : vector<16x128xf32>
      %logistic3A_353 = math.exp %logistic3A_352 : vector<16x128xf32>
      %logistic3A_354 = arith.constant 1.000000e+00 : f32
      %logistic3A_355 = vector.broadcast %logistic3A_354 : f32 to vector<16x128xf32>
      %logistic3A_356 = arith.addf %logistic3A_355, %logistic3A_353 : vector<16x128xf32>
      %logistic3A_357 = arith.divf %logistic3A_355, %logistic3A_356 : vector<16x128xf32>
      %mul3A_358 = arith.mulf %logistic3A_348, %add3A_314 : vector<16x128xf32>
      %mul3A_359 = arith.mulf %logistic3A_341, %tanh3A_350 : vector<16x128xf32>
      %add3A_360 = arith.addf %mul3A_358, %mul3A_359 : vector<16x128xf32>
      %tanh3A_361 = math.tanh %add3A_360 : vector<16x128xf32>
      %mul3A_362 = arith.mulf %logistic3A_357, %tanh3A_361 : vector<16x128xf32>
      %get3A_363 = arith.constant 4 : index
      %get3A_364 = arith.constant 0 : index
      %get3A_365 = arith.constant 0 : index
      %get3A_366 = vector.load %arg15[%get3A_363, %get3A_364, %get3A_365] : memref<8x16x128xf32, #tpu.memory_space<vmem>>, vector<1x16x128xf32>
      %get3A_367 = vector.shape_cast %get3A_366 : vector<1x16x128xf32> to vector<16x128xf32>
      %get3A_368 = arith.constant 0 : index
      %get3A_369 = arith.constant 0 : index
      %get3A_370 = vector.load %arg8[%get3A_368, %get3A_369] : memref<512x128xf32, #tpu.memory_space<vmem>>, vector<512x128xf32>
      %dot_general3A_371 = arith.constant dense<0.000000e+00> : vector<16x512xf32>
      %dot_general3A_372 = tpu.matmul %get3A_367, %get3A_370, %dot_general3A_371 {dimension_numbers = #tpu.dot_dimension_numbers<[1], [1], [0], [0], [0, 0, 1, 0], [], []>, transpose_lhs_hint = false} : vector<16x128xf32>, vector<512x128xf32>, vector<16x512xf32> -> vector<16x512xf32>
      %get3A_373 = arith.constant 0 : index
      %get3A_374 = arith.constant 0 : index
      %get3A_375 = vector.load %arg9[%get3A_373, %get3A_374] : memref<512x128xf32, #tpu.memory_space<vmem>>, vector<512x128xf32>
      %dot_general3A_376 = arith.constant dense<0.000000e+00> : vector<16x512xf32>
      %dot_general3A_377 = tpu.matmul %mul3A_362, %get3A_375, %dot_general3A_376 {dimension_numbers = #tpu.dot_dimension_numbers<[1], [1], [0], [0], [0, 0, 1, 0], [], []>, transpose_lhs_hint = false} : vector<16x128xf32>, vector<512x128xf32>, vector<16x512xf32> -> vector<16x512xf32>
      %add3A_378 = arith.addf %dot_general3A_372, %dot_general3A_377 : vector<16x512xf32>
      %add3A_379 = vector.broadcast %get3A_177 : vector<1x512xf32> to vector<16x512xf32>
      %add3A_380 = arith.addf %add3A_378, %add3A_379 : vector<16x512xf32>
      %slice3A_381 = vector.extract_strided_slice %add3A_380 {offsets = [0, 0], sizes = [16, 128], strides = [1, 1]} : vector<16x512xf32> to vector<16x128xf32>
      %logistic3A_382 = arith.negf %slice3A_381 : vector<16x128xf32>
      %logistic3A_383 = math.exp %logistic3A_382 : vector<16x128xf32>
      %logistic3A_384 = arith.constant 1.000000e+00 : f32
      %logistic3A_385 = vector.broadcast %logistic3A_384 : f32 to vector<16x128xf32>
      %logistic3A_386 = arith.addf %logistic3A_385, %logistic3A_383 : vector<16x128xf32>
      %logistic3A_387 = arith.divf %logistic3A_385, %logistic3A_386 : vector<16x128xf32>
      %slice3A_388 = vector.extract_strided_slice %add3A_380 {offsets = [0, 128], sizes = [16, 128], strides = [1, 1]} : vector<16x512xf32> to vector<16x128xf32>
      %logistic3A_389 = arith.negf %slice3A_388 : vector<16x128xf32>
      %logistic3A_390 = math.exp %logistic3A_389 : vector<16x128xf32>
      %logistic3A_391 = arith.constant 1.000000e+00 : f32
      %logistic3A_392 = vector.broadcast %logistic3A_391 : f32 to vector<16x128xf32>
      %logistic3A_393 = arith.addf %logistic3A_392, %logistic3A_390 : vector<16x128xf32>
      %logistic3A_394 = arith.divf %logistic3A_392, %logistic3A_393 : vector<16x128xf32>
      %slice3A_395 = vector.extract_strided_slice %add3A_380 {offsets = [0, 256], sizes = [16, 128], strides = [1, 1]} : vector<16x512xf32> to vector<16x128xf32>
      %tanh3A_396 = math.tanh %slice3A_395 : vector<16x128xf32>
      %slice3A_397 = vector.extract_strided_slice %add3A_380 {offsets = [0, 384], sizes = [16, 128], strides = [1, 1]} : vector<16x512xf32> to vector<16x128xf32>
      %logistic3A_398 = arith.negf %slice3A_397 : vector<16x128xf32>
      %logistic3A_399 = math.exp %logistic3A_398 : vector<16x128xf32>
      %logistic3A_400 = arith.constant 1.000000e+00 : f32
      %logistic3A_401 = vector.broadcast %logistic3A_400 : f32 to vector<16x128xf32>
      %logistic3A_402 = arith.addf %logistic3A_401, %logistic3A_399 : vector<16x128xf32>
      %logistic3A_403 = arith.divf %logistic3A_401, %logistic3A_402 : vector<16x128xf32>
      %mul3A_404 = arith.mulf %logistic3A_394, %add3A_360 : vector<16x128xf32>
      %mul3A_405 = arith.mulf %logistic3A_387, %tanh3A_396 : vector<16x128xf32>
      %add3A_406 = arith.addf %mul3A_404, %mul3A_405 : vector<16x128xf32>
      %tanh3A_407 = math.tanh %add3A_406 : vector<16x128xf32>
      %mul3A_408 = arith.mulf %logistic3A_403, %tanh3A_407 : vector<16x128xf32>
      %get3A_409 = arith.constant 5 : index
      %get3A_410 = arith.constant 0 : index
      %get3A_411 = arith.constant 0 : index
      %get3A_412 = vector.load %arg15[%get3A_409, %get3A_410, %get3A_411] : memref<8x16x128xf32, #tpu.memory_space<vmem>>, vector<1x16x128xf32>
      %get3A_413 = vector.shape_cast %get3A_412 : vector<1x16x128xf32> to vector<16x128xf32>
      %get3A_414 = arith.constant 0 : index
      %get3A_415 = arith.constant 0 : index
      %get3A_416 = vector.load %arg8[%get3A_414, %get3A_415] : memref<512x128xf32, #tpu.memory_space<vmem>>, vector<512x128xf32>
      %dot_general3A_417 = arith.constant dense<0.000000e+00> : vector<16x512xf32>
      %dot_general3A_418 = tpu.matmul %get3A_413, %get3A_416, %dot_general3A_417 {dimension_numbers = #tpu.dot_dimension_numbers<[1], [1], [0], [0], [0, 0, 1, 0], [], []>, transpose_lhs_hint = false} : vector<16x128xf32>, vector<512x128xf32>, vector<16x512xf32> -> vector<16x512xf32>
      %get3A_419 = arith.constant 0 : index
      %get3A_420 = arith.constant 0 : index
      %get3A_421 = vector.load %arg9[%get3A_419, %get3A_420] : memref<512x128xf32, #tpu.memory_space<vmem>>, vector<512x128xf32>
      %dot_general3A_422 = arith.constant dense<0.000000e+00> : vector<16x512xf32>
      %dot_general3A_423 = tpu.matmul %mul3A_408, %get3A_421, %dot_general3A_422 {dimension_numbers = #tpu.dot_dimension_numbers<[1], [1], [0], [0], [0, 0, 1, 0], [], []>, transpose_lhs_hint = false} : vector<16x128xf32>, vector<512x128xf32>, vector<16x512xf32> -> vector<16x512xf32>
      %add3A_424 = arith.addf %dot_general3A_418, %dot_general3A_423 : vector<16x512xf32>
      %add3A_425 = vector.broadcast %get3A_177 : vector<1x512xf32> to vector<16x512xf32>
      %add3A_426 = arith.addf %add3A_424, %add3A_425 : vector<16x512xf32>
      %slice3A_427 = vector.extract_strided_slice %add3A_426 {offsets = [0, 0], sizes = [16, 128], strides = [1, 1]} : vector<16x512xf32> to vector<16x128xf32>
      %logistic3A_428 = arith.negf %slice3A_427 : vector<16x128xf32>
      %logistic3A_429 = math.exp %logistic3A_428 : vector<16x128xf32>
      %logistic3A_430 = arith.constant 1.000000e+00 : f32
      %logistic3A_431 = vector.broadcast %logistic3A_430 : f32 to vector<16x128xf32>
      %logistic3A_432 = arith.addf %logistic3A_431, %logistic3A_429 : vector<16x128xf32>
      %logistic3A_433 = arith.divf %logistic3A_431, %logistic3A_432 : vector<16x128xf32>
      %slice3A_434 = vector.extract_strided_slice %add3A_426 {offsets = [0, 128], sizes = [16, 128], strides = [1, 1]} : vector<16x512xf32> to vector<16x128xf32>
      %logistic3A_435 = arith.negf %slice3A_434 : vector<16x128xf32>
      %logistic3A_436 = math.exp %logistic3A_435 : vector<16x128xf32>
      %logistic3A_437 = arith.constant 1.000000e+00 : f32
      %logistic3A_438 = vector.broadcast %logistic3A_437 : f32 to vector<16x128xf32>
      %logistic3A_439 = arith.addf %logistic3A_438, %logistic3A_436 : vector<16x128xf32>
      %logistic3A_440 = arith.divf %logistic3A_438, %logistic3A_439 : vector<16x128xf32>
      %slice3A_441 = vector.extract_strided_slice %add3A_426 {offsets = [0, 256], sizes = [16, 128], strides = [1, 1]} : vector<16x512xf32> to vector<16x128xf32>
      %tanh3A_442 = math.tanh %slice3A_441 : vector<16x128xf32>
      %slice3A_443 = vector.extract_strided_slice %add3A_426 {offsets = [0, 384], sizes = [16, 128], strides = [1, 1]} : vector<16x512xf32> to vector<16x128xf32>
      %logistic3A_444 = arith.negf %slice3A_443 : vector<16x128xf32>
      %logistic3A_445 = math.exp %logistic3A_444 : vector<16x128xf32>
      %logistic3A_446 = arith.constant 1.000000e+00 : f32
      %logistic3A_447 = vector.broadcast %logistic3A_446 : f32 to vector<16x128xf32>
      %logistic3A_448 = arith.addf %logistic3A_447, %logistic3A_445 : vector<16x128xf32>
      %logistic3A_449 = arith.divf %logistic3A_447, %logistic3A_448 : vector<16x128xf32>
      %mul3A_450 = arith.mulf %logistic3A_440, %add3A_406 : vector<16x128xf32>
      %mul3A_451 = arith.mulf %logistic3A_433, %tanh3A_442 : vector<16x128xf32>
      %add3A_452 = arith.addf %mul3A_450, %mul3A_451 : vector<16x128xf32>
      %tanh3A_453 = math.tanh %add3A_452 : vector<16x128xf32>
      %mul3A_454 = arith.mulf %logistic3A_449, %tanh3A_453 : vector<16x128xf32>
      %get3A_455 = arith.constant 6 : index
      %get3A_456 = arith.constant 0 : index
      %get3A_457 = arith.constant 0 : index
      %get3A_458 = vector.load %arg15[%get3A_455, %get3A_456, %get3A_457] : memref<8x16x128xf32, #tpu.memory_space<vmem>>, vector<1x16x128xf32>
      %get3A_459 = vector.shape_cast %get3A_458 : vector<1x16x128xf32> to vector<16x128xf32>
      %get3A_460 = arith.constant 0 : index
      %get3A_461 = arith.constant 0 : index
      %get3A_462 = vector.load %arg8[%get3A_460, %get3A_461] : memref<512x128xf32, #tpu.memory_space<vmem>>, vector<512x128xf32>
      %dot_general3A_463 = arith.constant dense<0.000000e+00> : vector<16x512xf32>
      %dot_general3A_464 = tpu.matmul %get3A_459, %get3A_462, %dot_general3A_463 {dimension_numbers = #tpu.dot_dimension_numbers<[1], [1], [0], [0], [0, 0, 1, 0], [], []>, transpose_lhs_hint = false} : vector<16x128xf32>, vector<512x128xf32>, vector<16x512xf32> -> vector<16x512xf32>
      %get3A_465 = arith.constant 0 : index
      %get3A_466 = arith.constant 0 : index
      %get3A_467 = vector.load %arg9[%get3A_465, %get3A_466] : memref<512x128xf32, #tpu.memory_space<vmem>>, vector<512x128xf32>
      %dot_general3A_468 = arith.constant dense<0.000000e+00> : vector<16x512xf32>
      %dot_general3A_469 = tpu.matmul %mul3A_454, %get3A_467, %dot_general3A_468 {dimension_numbers = #tpu.dot_dimension_numbers<[1], [1], [0], [0], [0, 0, 1, 0], [], []>, transpose_lhs_hint = false} : vector<16x128xf32>, vector<512x128xf32>, vector<16x512xf32> -> vector<16x512xf32>
      %add3A_470 = arith.addf %dot_general3A_464, %dot_general3A_469 : vector<16x512xf32>
      %add3A_471 = vector.broadcast %get3A_177 : vector<1x512xf32> to vector<16x512xf32>
      %add3A_472 = arith.addf %add3A_470, %add3A_471 : vector<16x512xf32>
      %slice3A_473 = vector.extract_strided_slice %add3A_472 {offsets = [0, 0], sizes = [16, 128], strides = [1, 1]} : vector<16x512xf32> to vector<16x128xf32>
      %logistic3A_474 = arith.negf %slice3A_473 : vector<16x128xf32>
      %logistic3A_475 = math.exp %logistic3A_474 : vector<16x128xf32>
      %logistic3A_476 = arith.constant 1.000000e+00 : f32
      %logistic3A_477 = vector.broadcast %logistic3A_476 : f32 to vector<16x128xf32>
      %logistic3A_478 = arith.addf %logistic3A_477, %logistic3A_475 : vector<16x128xf32>
      %logistic3A_479 = arith.divf %logistic3A_477, %logistic3A_478 : vector<16x128xf32>
      %slice3A_480 = vector.extract_strided_slice %add3A_472 {offsets = [0, 128], sizes = [16, 128], strides = [1, 1]} : vector<16x512xf32> to vector<16x128xf32>
      %logistic3A_481 = arith.negf %slice3A_480 : vector<16x128xf32>
      %logistic3A_482 = math.exp %logistic3A_481 : vector<16x128xf32>
      %logistic3A_483 = arith.constant 1.000000e+00 : f32
      %logistic3A_484 = vector.broadcast %logistic3A_483 : f32 to vector<16x128xf32>
      %logistic3A_485 = arith.addf %logistic3A_484, %logistic3A_482 : vector<16x128xf32>
      %logistic3A_486 = arith.divf %logistic3A_484, %logistic3A_485 : vector<16x128xf32>
      %slice3A_487 = vector.extract_strided_slice %add3A_472 {offsets = [0, 256], sizes = [16, 128], strides = [1, 1]} : vector<16x512xf32> to vector<16x128xf32>
      %tanh3A_488 = math.tanh %slice3A_487 : vector<16x128xf32>
      %slice3A_489 = vector.extract_strided_slice %add3A_472 {offsets = [0, 384], sizes = [16, 128], strides = [1, 1]} : vector<16x512xf32> to vector<16x128xf32>
      %logistic3A_490 = arith.negf %slice3A_489 : vector<16x128xf32>
      %logistic3A_491 = math.exp %logistic3A_490 : vector<16x128xf32>
      %logistic3A_492 = arith.constant 1.000000e+00 : f32
      %logistic3A_493 = vector.broadcast %logistic3A_492 : f32 to vector<16x128xf32>
      %logistic3A_494 = arith.addf %logistic3A_493, %logistic3A_491 : vector<16x128xf32>
      %logistic3A_495 = arith.divf %logistic3A_493, %logistic3A_494 : vector<16x128xf32>
      %mul3A_496 = arith.mulf %logistic3A_486, %add3A_452 : vector<16x128xf32>
      %mul3A_497 = arith.mulf %logistic3A_479, %tanh3A_488 : vector<16x128xf32>
      %add3A_498 = arith.addf %mul3A_496, %mul3A_497 : vector<16x128xf32>
      %tanh3A_499 = math.tanh %add3A_498 : vector<16x128xf32>
      %mul3A_500 = arith.mulf %logistic3A_495, %tanh3A_499 : vector<16x128xf32>
      %get3A_501 = arith.constant 7 : index
      %get3A_502 = arith.constant 0 : index
      %get3A_503 = arith.constant 0 : index
      %get3A_504 = vector.load %arg15[%get3A_501, %get3A_502, %get3A_503] : memref<8x16x128xf32, #tpu.memory_space<vmem>>, vector<1x16x128xf32>
      %get3A_505 = vector.shape_cast %get3A_504 : vector<1x16x128xf32> to vector<16x128xf32>
      %get3A_506 = arith.constant 0 : index
      %get3A_507 = arith.constant 0 : index
      %get3A_508 = vector.load %arg8[%get3A_506, %get3A_507] : memref<512x128xf32, #tpu.memory_space<vmem>>, vector<512x128xf32>
      %dot_general3A_509 = arith.constant dense<0.000000e+00> : vector<16x512xf32>
      %dot_general3A_510 = tpu.matmul %get3A_505, %get3A_508, %dot_general3A_509 {dimension_numbers = #tpu.dot_dimension_numbers<[1], [1], [0], [0], [0, 0, 1, 0], [], []>, transpose_lhs_hint = false} : vector<16x128xf32>, vector<512x128xf32>, vector<16x512xf32> -> vector<16x512xf32>
      %get3A_511 = arith.constant 0 : index
      %get3A_512 = arith.constant 0 : index
      %get3A_513 = vector.load %arg9[%get3A_511, %get3A_512] : memref<512x128xf32, #tpu.memory_space<vmem>>, vector<512x128xf32>
      %dot_general3A_514 = arith.constant dense<0.000000e+00> : vector<16x512xf32>
      %dot_general3A_515 = tpu.matmul %mul3A_500, %get3A_513, %dot_general3A_514 {dimension_numbers = #tpu.dot_dimension_numbers<[1], [1], [0], [0], [0, 0, 1, 0], [], []>, transpose_lhs_hint = false} : vector<16x128xf32>, vector<512x128xf32>, vector<16x512xf32> -> vector<16x512xf32>
      %add3A_516 = arith.addf %dot_general3A_510, %dot_general3A_515 : vector<16x512xf32>
      %add3A_517 = vector.broadcast %get3A_177 : vector<1x512xf32> to vector<16x512xf32>
      %add3A_518 = arith.addf %add3A_516, %add3A_517 : vector<16x512xf32>
      %slice3A_519 = vector.extract_strided_slice %add3A_518 {offsets = [0, 0], sizes = [16, 128], strides = [1, 1]} : vector<16x512xf32> to vector<16x128xf32>
      %logistic3A_520 = arith.negf %slice3A_519 : vector<16x128xf32>
      %logistic3A_521 = math.exp %logistic3A_520 : vector<16x128xf32>
      %logistic3A_522 = arith.constant 1.000000e+00 : f32
      %logistic3A_523 = vector.broadcast %logistic3A_522 : f32 to vector<16x128xf32>
      %logistic3A_524 = arith.addf %logistic3A_523, %logistic3A_521 : vector<16x128xf32>
      %logistic3A_525 = arith.divf %logistic3A_523, %logistic3A_524 : vector<16x128xf32>
      %slice3A_526 = vector.extract_strided_slice %add3A_518 {offsets = [0, 128], sizes = [16, 128], strides = [1, 1]} : vector<16x512xf32> to vector<16x128xf32>
      %logistic3A_527 = arith.negf %slice3A_526 : vector<16x128xf32>
      %logistic3A_528 = math.exp %logistic3A_527 : vector<16x128xf32>
      %logistic3A_529 = arith.constant 1.000000e+00 : f32
      %logistic3A_530 = vector.broadcast %logistic3A_529 : f32 to vector<16x128xf32>
      %logistic3A_531 = arith.addf %logistic3A_530, %logistic3A_528 : vector<16x128xf32>
      %logistic3A_532 = arith.divf %logistic3A_530, %logistic3A_531 : vector<16x128xf32>
      %slice3A_533 = vector.extract_strided_slice %add3A_518 {offsets = [0, 256], sizes = [16, 128], strides = [1, 1]} : vector<16x512xf32> to vector<16x128xf32>
      %tanh3A_534 = math.tanh %slice3A_533 : vector<16x128xf32>
      %slice3A_535 = vector.extract_strided_slice %add3A_518 {offsets = [0, 384], sizes = [16, 128], strides = [1, 1]} : vector<16x512xf32> to vector<16x128xf32>
      %logistic3A_536 = arith.negf %slice3A_535 : vector<16x128xf32>
      %logistic3A_537 = math.exp %logistic3A_536 : vector<16x128xf32>
      %logistic3A_538 = arith.constant 1.000000e+00 : f32
      %logistic3A_539 = vector.broadcast %logistic3A_538 : f32 to vector<16x128xf32>
      %logistic3A_540 = arith.addf %logistic3A_539, %logistic3A_537 : vector<16x128xf32>
      %logistic3A_541 = arith.divf %logistic3A_539, %logistic3A_540 : vector<16x128xf32>
      %mul3A_542 = arith.mulf %logistic3A_532, %add3A_498 : vector<16x128xf32>
      %mul3A_543 = arith.mulf %logistic3A_525, %tanh3A_534 : vector<16x128xf32>
      %add3A_544 = arith.addf %mul3A_542, %mul3A_543 : vector<16x128xf32>
      %tanh3A_545 = math.tanh %add3A_544 : vector<16x128xf32>
      %mul3A_546 = arith.mulf %logistic3A_541, %tanh3A_545 : vector<16x128xf32>
      %max3A_547 = arith.constant 0.000000e+00 : f32
      %max3A_548 = vector.broadcast %max3A_547 : f32 to vector<16x128xf32>
      %max3A_549 = arith.maximumf %mul3A_546, %max3A_548 : vector<16x128xf32>
      %get3A_550 = arith.constant 0 : index
      %get3A_551 = arith.constant 0 : index
      %get3A_552 = vector.load %arg11[%get3A_550, %get3A_551] : memref<10x128xf32, #tpu.memory_space<vmem>>, vector<10x128xf32>
      %dot_general3A_553 = arith.constant dense<0.000000e+00> : vector<16x10xf32>
      %dot_general3A_554 = tpu.matmul %max3A_549, %get3A_552, %dot_general3A_553 {dimension_numbers = #tpu.dot_dimension_numbers<[1], [1], [0], [0], [0, 0, 1, 0], [], []>, transpose_lhs_hint = false} : vector<16x128xf32>, vector<10x128xf32>, vector<16x10xf32> -> vector<16x10xf32>
      %get3A_555 = arith.constant 0 : index
      %get3A_556 = arith.constant 0 : index
      %get3A_557 = vector.load %arg12[%get3A_555, %get3A_556] : memref<1x10xf32, #tpu.memory_space<vmem>>, vector<1x10xf32>
      %add3A_558 = vector.broadcast %get3A_557 : vector<1x10xf32> to vector<16x10xf32>
      %add3A_559 = arith.addf %dot_general3A_554, %add3A_558 : vector<16x10xf32>
      %reduce_max3A = arith.constant dense<0xFF800000> : vector<16xf32>
      %reduce_max3A_560 = vector.multi_reduction <maximumf>, %add3A_559, %reduce_max3A [1] : vector<16x10xf32> to vector<16xf32>
      %broadcast_in_dim3A_561 = vector.shape_cast %reduce_max3A_560 : vector<16xf32> to vector<16x1xf32>
      %sub3A = vector.broadcast %broadcast_in_dim3A_561 : vector<16x1xf32> to vector<16x10xf32>
      %sub3A_562 = arith.subf %add3A_559, %sub3A : vector<16x10xf32>
      %exp3A = math.exp %sub3A_562 : vector<16x10xf32>
      %reduce_sum3A_563 = arith.constant dense<0.000000e+00> : vector<16xf32>
      %reduce_sum3A_564 = vector.multi_reduction <add>, %exp3A, %reduce_sum3A_563 [1] : vector<16x10xf32> to vector<16xf32>
      %broadcast_in_dim3A_565 = vector.shape_cast %reduce_sum3A_564 : vector<16xf32> to vector<16x1xf32>
      %div3A = vector.broadcast %broadcast_in_dim3A_565 : vector<16x1xf32> to vector<16x10xf32>
      %div3A_566 = arith.divf %exp3A, %div3A : vector<16x10xf32>
      %swap3A_567 = arith.constant 0 : index
      %swap3A_568 = arith.constant 0 : index
      %swap3A_569 = vector.load %arg13[%swap3A_567, %swap3A_568] : memref<16x10xf32, #tpu.memory_space<vmem>>, vector<16x10xf32>
      tpu.vector_store %arg13[%swap3A_567, %swap3A_568], %div3A_566 {strides = array<i32>} : memref<16x10xf32, #tpu.memory_space<vmem>>, vector<16x10xf32>,
    } else {
    }
    return
  }
  func.func @transform_0(%arg0: i32, %arg1: i32) -> (i32, i32) {
    %c0_i32 = arith.constant 0 : i32
    %c0_i32_0 = arith.constant 0 : i32
    %c0_i32_1 = arith.constant 0 : i32
    return %c0_i32, %c0_i32_0 : i32, i32
  }
  func.func @transform_1(%arg0: i32, %arg1: i32) -> (i32, i32, i32, i32, i32) {
    %c0_i32 = arith.constant 0 : i32
    %c0_i32_0 = arith.constant 0 : i32
    %c0_i32_1 = arith.constant 0 : i32
    %c0_i32_2 = arith.constant 0 : i32
    return %arg0, %arg1, %c0_i32, %c0_i32_0, %c0_i32_1 : i32, i32, i32, i32, i32
  }
  func.func @transform_2(%arg0: i32, %arg1: i32) -> (i32, i32) {
    %c0_i32 = arith.constant 0 : i32
    %c0_i32_0 = arith.constant 0 : i32
    %c0_i32_1 = arith.constant 0 : i32
    return %c0_i32, %c0_i32_0 : i32, i32
  }
  func.func @transform_3(%arg0: i32, %arg1: i32) -> (i32, i32) {
    %c0_i32 = arith.constant 0 : i32
    %c0_i32_0 = arith.constant 0 : i32
    %c0_i32_1 = arith.constant 0 : i32
    return %c0_i32, %c0_i32_0 : i32, i32
  }
  func.func @transform_4(%arg0: i32, %arg1: i32) -> (i32, i32) {
    %c0_i32 = arith.constant 0 : i32
    %c0_i32_0 = arith.constant 0 : i32
    %c0_i32_1 = arith.constant 0 : i32
    return %c0_i32, %c0_i32_0 : i32, i32
  }
  func.func @transform_5(%arg0: i32, %arg1: i32) -> (i32, i32) {
    %c0_i32 = arith.constant 0 : i32
    %c0_i32_0 = arith.constant 0 : i32
    %c0_i32_1 = arith.constant 0 : i32
    return %c0_i32, %c0_i32_0 : i32, i32
  }
  func.func @transform_6(%arg0: i32, %arg1: i32) -> (i32, i32) {
    %c0_i32 = arith.constant 0 : i32
    %c0_i32_0 = arith.constant 0 : i32
    %c0_i32_1 = arith.constant 0 : i32
    return %c0_i32, %c0_i32_0 : i32, i32
  }
  func.func @transform_7(%arg0: i32, %arg1: i32) -> (i32, i32) {
    %c0_i32 = arith.constant 0 : i32
    %c0_i32_0 = arith.constant 0 : i32
    %c0_i32_1 = arith.constant 0 : i32
    return %c0_i32, %c0_i32_0 : i32, i32
  }
  func.func @transform_8(%arg0: i32, %arg1: i32) -> (i32, i32) {
    %c0_i32 = arith.constant 0 : i32
    %c0_i32_0 = arith.constant 0 : i32
    %c0_i32_1 = arith.constant 0 : i32
    return %c0_i32, %c0_i32_0 : i32, i32
  }
  func.func @transform_9(%arg0: i32, %arg1: i32) -> (i32, i32) {
    %c0_i32 = arith.constant 0 : i32
    %c0_i32_0 = arith.constant 0 : i32
    %c0_i32_1 = arith.constant 0 : i32
    return %c0_i32, %c0_i32_0 : i32, i32
  }
  func.func @transform_10(%arg0: i32, %arg1: i32) -> (i32, i32) {
    %c0_i32 = arith.constant 0 : i32
    %c0_i32_0 = arith.constant 0 : i32
    %c0_i32_1 = arith.constant 0 : i32
    return %c0_i32, %c0_i32_0 : i32, i32
  }
  func.func @transform_11(%arg0: i32, %arg1: i32) -> (i32, i32) {
    %c0_i32 = arith.constant 0 : i32
    %c0_i32_0 = arith.constant 0 : i32
    %c0_i32_1 = arith.constant 0 : i32
    return %c0_i32, %c0_i32_0 : i32, i32
  }
}

</mosaic_0001>

<sc_bundles>
// kernel: kernel.4.cloned.1.call-start
scs
__scs_entry_jumppad:
0x0: {  	(pc) =	sbr.rel $0x88, $3  }
0x1: {  	(tag) =	ssettag $0x0;
	lr =	simm.s32 $0x1  }
0x2: {  	[smem:$0x3F95] =	sst lr;
	_ =	strace $0xD0000000  }
0x3: {  	_ = 	snop  }
0x4: {  	_ = 	snop  }
0x5: {  	_ = 	snop  }
0x6: {  	_ = 	snop  }
0x7: {  	_ = 	snop  }
__scs_overlays_trampoline_lowered:
0x8: {  	[smem:$0x3FA4] =	sst s0  }
0x9: {  	[smem:$0x3FA5] =	sst s1  }
0xa: {  	[smem:$0x3FA6] =	sst s2  }
0xb: {  	[smem:$0x3FA7] =	sst s3  }
0xc: {  	[smem:$0x3FA8] =	sst s4  }
0xd: {  	[smem:$0x3FA9] =	sst s5  }
0xe: {  	[smem:$0x3FAA] =	sst s6  }
0xf: {  	[smem:$0x3FAB] =	sst s7  }
0x10: {  	[smem:$0x3FAC] =	sst s8  }
0x11: {  	[smem:$0x3FAD] =	sst s9;
	s0 =	simm.s32 @!p0 $0x0  }
0x12: {  	s1 =	sld [smem:$0x3F93];
	s0 =	simm.s32 @p0 $0x1  }
0x13: {  	[smem:$0x3FAE] =	sst s0;
	s0 =	simm.s32 @!p1 $0x0  }
0x14: {  	s2 =	sld [smem:$0x3F92];
	s0 =	simm.s32 @p1 $0x1  }
0x15: {  	[smem:$0x3FAF] =	sst s0;
	s0 =	simm.s32 @!p2 $0x0  }
0x16: {  	s3 =	sld [smem:$0x3FDB];
	s0 =	simm.s32 @p2 $0x1  }
0x17: {  	s4 =	simm.s32 $0x1BF5;
	[smem:$0x3FB1] =	sst s0  }
0x18: {  	s0 =	sld [smem:$0x3F94];
	_ =	swait.ge [sflag:s4], $0x0  }
0x19: {  	s7 =	sld [smem:$0x3F95]  }
0x1a: {  	s8 =	sadd.s32 $0xFFFFE003, lr  }
0x1b: {  	s9 =	sadd.s32 $0xFFFFFEF7, lr;
	s5 =	simm.s32 $0xFFFFFFFF;
	p2 =	slt.u32 s8, $0xFFFFF086  }
0x1c: {  	p1 =	slt.u32 s9, $0xF7A;
	s5 =	simm.s32 @!p2 $0x0  }
0x1d: {  	s5 =	simm.s32 @p1 $0x1;
	p0 =	seq.s32 s7, s2  }
0x1e: {  	s7 =	smul.u32 @!p0 $0xF7A, s2;
	p2 =	seq.s32 @!p0 s5, $0x0  }
0x1f: {  	s9 =	smul.u32 $0xF7A, s1;
	s8 =	simm.s32 @!p0 $0x1BF5;
	p2 =	por !p2, p0  }
0x20: {  	[sflag:s8] =	ssyncset.s32 @!p0 $0xFFFFF086;
	s6 =	sadd.s32 @!p0 s3, s7;
	s7 =	simm.s32 @!p0 $0x108  }
0x21: {  	s3 =	sadd.s32 s3, s9;
	s6 =	sadd.s32 @!p0 $0x88, s6;
	s7 =	simm.s32 @p2 $0x1082  }
0x22: {  	[simem:s7], [sflag:s8] =	dma.local @!p0 [hbm:s6], $0xF7A  }
0x23: {  	s9 =	sor.u32 $0xD0000000, s2;
	s6 =	simm.s32 $0x108;
	_ =	swait.ge @!p0 [sflag:s8], $0x0  }
0x24: {  	s3 =	sadd.s32 $0x88, s3;
	s6 =	simm.s32 @!p1 $0x1082;
	[sflag:s4] =	ssyncset.s32 $0xFFFFF086  }
0x25: {  	[simem:s6], [sflag:s4] =	dma.local [hbm:s3], $0xF7A  }
0x26: {  	[smem:$0x3F95] =	sst s1;
	(tag) =	ssettag s2;
	_ =	strace s9  }
0x27: {  	s1 =	sld [smem:$0x3FA5]  }
0x28: {  	s2 =	sld [smem:$0x3FA6]  }
0x29: {  	s4 =	sld [smem:$0x3FA8]  }
0x2a: {  	p0 =	seq.s32 s5, $0x0;
	s5 =	sld [smem:$0x3FA9]  }
0x2b: {  	s6 =	sld [smem:$0x3FAA]  }
0x2c: {  	s7 =	sld [smem:$0x3FAB]  }
0x2d: {  	s3 =	simm.s32 $0x108;
	s8 =	sld [smem:$0x3FAC]  }
0x2e: {  	s3 =	simm.s32 @!p0 $0x1082;
	s9 =	sld [smem:$0x3FAD]  }
0x2f: {  	lr =	sadd.s32 s0, s3;
	s0 =	sld [smem:$0x3FA4]  }
0x30: {  	s3 =	sld [smem:$0x3FA7]  }
0x31: {  	[smem:$0x3FB0] =	sst s10  }
0x32: {  	s10 =	sld [smem:$0x3FAE];
	_ =	sdelay $0x3  }
0x33: {  	p0 =	seq.s32 s10, $0x1;
	s10 =	sld [smem:$0x3FB0];
	_ =	sdelay $0x3  }
0x34: {  	[smem:$0x3FB0] =	sst s10  }
0x35: {  	s10 =	sld [smem:$0x3FAF];
	_ =	sdelay $0x3  }
0x36: {  	p1 =	seq.s32 s10, $0x1;
	s10 =	sld [smem:$0x3FB0];
	_ =	sdelay $0x3  }
0x37: {  	[smem:$0x3FB0] =	sst s10  }
0x38: {  	s10 =	sld [smem:$0x3FB1]  }
0x39: {  	_ = 	snop;
	(pc) =	sbr.ind lr, $3  }
0x3a: {  	_ = 	snop  }
0x3b: {  	_ = 	snop  }
0x3c: {  	p2 =	seq.s32 s10, $0x1;
	s10 =	sld [smem:$0x3FB0]  }
0x3d: {  	_ =	shalt  }
0x3e: {  	_ =	shalt  }
0x3f: {  	_ =	shalt  }
0x40: {  	_ =	shalt  }
0x41: {  	_ =	shalt  }
0x42: {  	_ =	shalt  }
0x43: {  	_ =	shalt  }
0x44: {  	_ =	shalt  }
0x45: {  	_ =	shalt  }
0x46: {  	_ =	shalt  }
0x47: {  	_ =	shalt  }
0x48: {  	_ =	shalt  }
0x49: {  	_ =	shalt  }
0x4a: {  	_ =	shalt  }
0x4b: {  	_ =	shalt  }
0x4c: {  	_ =	shalt  }
0x4d: {  	_ =	shalt  }
0x4e: {  	_ =	shalt  }
0x4f: {  	_ =	shalt  }
0x50: {  	_ =	shalt  }
0x51: {  	_ =	shalt  }
0x52: {  	_ =	shalt  }
0x53: {  	_ =	shalt  }
0x54: {  	_ =	shalt  }
0x55: {  	_ =	shalt  }
0x56: {  	_ =	shalt  }
0x57: {  	_ =	shalt  }
0x58: {  	_ =	shalt  }
0x59: {  	_ =	shalt  }
0x5a: {  	_ =	shalt  }
0x5b: {  	_ =	shalt  }
0x5c: {  	_ =	shalt  }
0x5d: {  	_ =	shalt  }
0x5e: {  	_ =	shalt  }
0x5f: {  	_ =	shalt  }
0x60: {  	_ =	shalt  }
0x61: {  	_ =	shalt  }
0x62: {  	_ =	shalt  }
0x63: {  	_ =	shalt  }
0x64: {  	_ =	shalt  }
0x65: {  	_ =	shalt  }
0x66: {  	_ =	shalt  }
0x67: {  	_ =	shalt  }
0x68: {  	_ =	shalt  }
0x69: {  	_ =	shalt  }
0x6a: {  	_ =	shalt  }
0x6b: {  	_ =	shalt  }
0x6c: {  	_ =	shalt  }
0x6d: {  	_ =	shalt  }
0x6e: {  	_ =	shalt  }
0x6f: {  	_ =	shalt  }
0x70: {  	_ =	shalt  }
0x71: {  	_ =	shalt  }
0x72: {  	_ =	shalt  }
0x73: {  	_ =	shalt  }
0x74: {  	_ =	shalt  }
0x75: {  	_ =	shalt  }
0x76: {  	_ =	shalt  }
0x77: {  	_ =	shalt  }
0x78: {  	_ =	shalt  }
0x79: {  	_ =	shalt  }
0x7a: {  	_ =	shalt  }
0x7b: {  	_ =	shalt  }
0x7c: {  	_ =	shalt  }
0x7d: {  	_ =	shalt  }
0x7e: {  	_ =	shalt  }
0x7f: {  	_ =	shalt  }
0x80: {  	_ =	shalt  }
0x81: {  	_ =	shalt  }
0x82: {  	_ =	shalt  }
0x83: {  	_ =	shalt  }
0x84: {  	_ =	shalt  }
0x85: {  	_ =	shalt  }
0x86: {  	_ =	shalt  }
0x87: {  	_ =	shalt  }
.Lfunc_end0:
.L_simem_size_0:
called_computation_lowered:
.L_overlay_start_0:
0x88: {  	s2 =	sld [smem:$0x3FD9]  }
0x89: {  	s3 =	sld [smem:$0x3FFE];
	_ =	sdelay $0x1  }
0x8a: {  	s1 =	srdreg.scid  }
0x8b: {  	s0 =	sand.u32 $0x1, s1  }
0x8c: {  	s16 =	sshll.u32 s0, $0xA;
	s2 =	sadd.s32 s3, s2  }
0x8d: {  	s2 =	sadd.s32 s2, s16  }
0x8e: {  	[smem:$0x3FBC] =	sst s2  }
0x8f: {  	_ = 	snop  }
0x90: {  	(tm) =	ssettm $0x1  }
0x91: {  	s17 =	sld [smem:$0x3FFB];
	_ =	sdelay $0x3  }
0x92: {  	_ =	strace s17  }
0x93: {  	s2 =	sld [smem:$0x3FFC];
	_ =	sdelay $0x3  }
0x94: {  	_ =	strace s2  }
0x95: {  	s2 =	sld [smem:$0x3FFD];
	_ =	sdelay $0x3  }
0x96: {  	_ =	strace s2  }
0x97: {  	_ =	strace $0x8FFFFFFF  }
0x98: {  	s18 =	sld [smem:$0x3FDB];
	_ =	sdelay $0x1  }
0x99: {  	s19 =	simm.s32 $_scs_section_size  }
0x9a: {  	s4 =	simm.s32 $_size__tile_overlayer_lowered;
	s5 =	simm.s32 $_tile_overlayer_lowered  }
0x9b: {  	s22 =	simm.s32 $0x1BFF;
	s21 =	sshll.u32 s5, $0x1;
	s2 =	sadd.s32 s19, s18  }
0x9c: {  	s6 =	simm.s32 $0x0;
	s20 =	sshll.u32 s4, $0x1;
	s4 =	sadd.s32 s21, s2  }
0x9d: {  	[timem:s6], [sflag:s22] =	dma.local [hbm:s4], s20  }
0x9e: {  	_ =	swait.ge [sflag:s22], s20  }
0x9f: {  	s3 =	ssub.s32 $0x0, s20;
	[sflag:s22] =	ssyncset.done $0x0  }
0xa0: {  	[sflag:s22] =	ssyncadd.s32 s3;
	_ =	sdelay $0x1  }
0xa1: {  	s23 =	simm.s32 $0x1B8B  }
0xa2: {  	_ =	swait.ge [sflag:s23], $0x1  }
0xa3: {  	[sflag:s23] =	ssyncset.done $0x0  }
0xa4: {  	s25 =	simm.s32 $0x1B8E;
	s24 =	sld [smem:$0x3FFE];
	[sflag:s23] =	ssyncadd.s32 $0xFFFFFFFF  }
0xa5: {  	s26 =	simm.s32 $execute0_lowered;
	[smem:$0x3FD2] =	sst s25  }
0xa6: {  	s4 =	sshll.u32 s26, $0x1;
	_ =	strace $0x80000046;
	[dreg:$0x1] =	wrdreg $0xFFFFFFFF  }
0xa7: {  	s28 =	simm.s32 $_size_execute0_lowered;
	s2 =	sadd.s32 s2, s4;
	[dreg:$0x0] =	wrdreg $0x0  }
0xa8: {  	s4 =	sshll.u32 s28, $0x1;
	[dreg:$0x2] =	wrdreg s2  }
0xa9: {  	[dreg:$0x3] =	wrdreg s4  }
0xaa: {  	[dreg:$0x4] =	wrdreg $0xC0  }
0xab: {  	_ =	task [dreg:s6], $0x5FFFF  }
0xac: {  	[dreg:$0x1] =	wrdreg $0xFFFFFFFF  }
0xad: {  	[dreg:$0x0] =	wrdreg $0x60  }
0xae: {  	[dreg:$0x2] =	wrdreg s24  }
0xaf: {  	[dreg:$0x3] =	wrdreg $0x9  }
0xb0: {  	_ =	task.clear_ibuf [dreg:s6], $0x4FFFF;
	_ =	strace $0x90000046  }
0xb1: {  	s29 =	simm.s32 $0x9;
	_ =	strace $0x80000048  }
0xb2: {  	_ =	swait.ge [sflag:s29], $0x1  }
0xb3: {  	[sflag:s29] =	ssyncadd.s32 $0xFFFFFFFF  }
0xb4: {  	_ =	strace $0x90000048  }
0xb5: {  	_ =	sfence  }
0xb6: {  	s30 =	sld [smem:$0x0];
	_ =	sdelay $0x2  }
0xb7: {  	s31 =	sshll.u32 s1, $0xD;
	s1 =	sshrl.u32 s1, $0x2  }
0xb8: {  	s3 =	sand.u32 $0x4000, s31;
	s1 =	sadd.s32 s1, s30  }
0xb9: {  	s0 =	sor.u32 s3, s0;
	s1 =	sshll.u32 s1, $0x11  }
0xba: {  	s0 =	sor.u32 s1, s0  }
0xbb: {  	s0 =	sadd.s32 $0x8F2B, s0  }
0xbc: {  	[sflag:s0] =	ssyncadd.remote.s32 $0x1  }
0xbd: {  	_ =	sfence.sel $0xFFFF  }
0xbe: {  	[dreg:$0x0] =	wrdreg $0xFFFFFFFF;
	(pc) =	sbr.abs _section_cstart, $3  }
0xbf: {  	[dreg:$0x1] =	wrdreg $0xFFFFFFFF  }
0xc0: {  	_ =	task.clear_ibuf [dreg:s6], $0x2FFFF;
	_ =	strace $0x9FFFFFFF  }
0xc1: {  	(tm) =	ssettm $0x7FFFFFFF  }
tec
execute0_lowered:
.L_overlay_start_1:
0x0: {  	(tag) =	ssettag $0x1  }
0x1: {  	s4 =	rddreg [dreg:$0x0]  }
0x2: {  	s0 =	rddreg [dreg:$0x1];
	s3 =	srdreg.scid  }
0x3: {  	s2 =	simm.s32 $0x0;
	s1 =	stileid.u32;
	s5 =	sand.u32 $0x1, s3  }
0x4: {  	[smem:$0x7FF] =	sst s2;
	s31 =	sshll.u32 s1, $0x6;
	s6 =	sshll.u32 s5, $0x5  }
0x5: {  	s9 =	simm.s32 $0x0;
	_ =	strace $0x80000047;
	s3 =	sor.u32 s6, s31  }
0x6: {  	s5 =	ssub.s32 $0x2, s5;
	s6 =	sshll.u32 s3, $0x4;
	s7 =	sshll.u32 s3, $0x7  }
0x7: {  	s8 =	sshrl.u32 s5, $0x1;
	s6 =	sadd.s32 s6, s4;
	s7 =	sadd.s32 s7, s4  }
0x8: {  	s8 =	ssub.s32 s5, s8;
	s4 =	sadd.s32 $0x1600, s6;
	s5 =	sadd.s32 $0x5600, s7  }
0x9: {  	v0 =	vimm.f32 $0.0e+00;
	v1 =	vimm.f32 $1.000000000e+00;
	s6 =	smax.u32 s8, $0x1;
	s7 =	simm.s32 $0x1;
	s8 =	simm.s32 $0x1000  }
.LBB2_1:
0xa: {  	[tilespmem:s2], [sflag:$0x1] =	stream.linear.gather [hbm4b:s4+s2], $0x1000, $0x38;
	[tilespmem:$0x9000] =	vst v63  }
0xb: {  	_ =	swait.ge [sflag:s7], $0x1000  }
0xc: {  	s10 =	simm.s32 $0xFFFF8000;
	s11 =	simm.s32 $0x0;
	[sflag:s7] =	ssyncset.done $0x0  }
0xd: {  	s12 =	simm.s32 $0x0;
	s13 =	simm.s32 $0x0;
	[sflag:s7] =	ssyncadd.s32 $0xFFFFF000  }
.LBB2_2:
0xe: {  	s14 =	sadd.s32 $0x8000, s10  }
0xf: {  	s15 =	sand.u32 $0x380, s13;
	s14 =	sand.u32 $0x6000, s14  }
0x10: {  	s14 =	sor.u32 s15, s14  }
0x11: {  	[tilespmem:s14+$0x1000] =	vst v0  }
0x12: {  	[tilespmem:s14+$0x1010] =	vst v0  }
0x13: {  	[tilespmem:s14+$0x1020] =	vst v0  }
0x14: {  	[tilespmem:s14+$0x1030] =	vst v0  }
0x15: {  	[tilespmem:s14+$0x1040] =	vst v0  }
0x16: {  	[tilespmem:s14+$0x1050] =	vst v0  }
0x17: {  	[tilespmem:s14+$0x1060] =	vst v0  }
0x18: {  	[tilespmem:s14+$0x1070] =	vst v0  }
0x19: {  	[tilespmem:s14+$0x1400] =	vst v0  }
0x1a: {  	[tilespmem:s14+$0x1410] =	vst v0  }
0x1b: {  	[tilespmem:s14+$0x1420] =	vst v0  }
0x1c: {  	[tilespmem:s14+$0x1430] =	vst v0  }
0x1d: {  	[tilespmem:s14+$0x1440] =	vst v0  }
0x1e: {  	[tilespmem:s14+$0x1450] =	vst v0  }
0x1f: {  	[tilespmem:s14+$0x1460] =	vst v0  }
0x20: {  	[tilespmem:s14+$0x1470] =	vst v0  }
0x21: {  	[tilespmem:s14+$0x1800] =	vst v0  }
0x22: {  	[tilespmem:s14+$0x1810] =	vst v0  }
0x23: {  	[tilespmem:s14+$0x1820] =	vst v0  }
0x24: {  	[tilespmem:s14+$0x1830] =	vst v0  }
0x25: {  	[tilespmem:s14+$0x1840] =	vst v0  }
0x26: {  	[tilespmem:s14+$0x1850] =	vst v0  }
0x27: {  	[tilespmem:s14+$0x1860] =	vst v0  }
0x28: {  	[tilespmem:s14+$0x1870] =	vst v0  }
0x29: {  	[tilespmem:s14+$0x1C00] =	vst v0  }
0x2a: {  	[tilespmem:s14+$0x1C10] =	vst v0  }
0x2b: {  	[tilespmem:s14+$0x1C20] =	vst v0  }
0x2c: {  	[tilespmem:s14+$0x1C30] =	vst v0  }
0x2d: {  	[tilespmem:s14+$0x1C40] =	vst v0  }
0x2e: {  	[tilespmem:s14+$0x1C50] =	vst v0  }
0x2f: {  	[tilespmem:s14+$0x1C60] =	vst v0  }
0x30: {  	[tilespmem:s14+$0x1C70] =	vst v0  }
0x31: {  	[tilespmem:s14+$0x2000] =	vst v0  }
0x32: {  	[tilespmem:s14+$0x2010] =	vst v0  }
0x33: {  	[tilespmem:s14+$0x2020] =	vst v0  }
0x34: {  	[tilespmem:s14+$0x2030] =	vst v0  }
0x35: {  	[tilespmem:s14+$0x2040] =	vst v0  }
0x36: {  	[tilespmem:s14+$0x2050] =	vst v0  }
0x37: {  	[tilespmem:s14+$0x2060] =	vst v0  }
0x38: {  	[tilespmem:s14+$0x2070] =	vst v0  }
0x39: {  	[tilespmem:s14+$0x2400] =	vst v0  }
0x3a: {  	[tilespmem:s14+$0x2410] =	vst v0  }
0x3b: {  	[tilespmem:s14+$0x2420] =	vst v0  }
0x3c: {  	[tilespmem:s14+$0x2430] =	vst v0  }
0x3d: {  	[tilespmem:s14+$0x2440] =	vst v0  }
0x3e: {  	[tilespmem:s14+$0x2450] =	vst v0  }
0x3f: {  	[tilespmem:s14+$0x2460] =	vst v0  }
0x40: {  	[tilespmem:s14+$0x2470] =	vst v0  }
0x41: {  	[tilespmem:s14+$0x2800] =	vst v0  }
0x42: {  	[tilespmem:s14+$0x2810] =	vst v0  }
0x43: {  	[tilespmem:s14+$0x2820] =	vst v0  }
0x44: {  	[tilespmem:s14+$0x2830] =	vst v0  }
0x45: {  	s22 =	sand.u32 $0x7, s11;
	[tilespmem:s14+$0x2840] =	vst v0  }
0x46: {  	s15 =	sshll.u32 s22, $0x7;
	[tilespmem:s14+$0x2850] =	vst v0  }
0x47: {  	s15 =	sadd.s32 s15, s12;
	[tilespmem:s14+$0x2860] =	vst v0  }
0x48: {  	[tilespmem:s14+$0x2870] =	vst v0;
	s23 =	sor.u32 $0x1C00, s15  }
0x49: {  	s24 =	sor.u32 $0x1C10, s15;
	[tilespmem:s23+$0x1000] =	vst v0  }
0x4a: {  	s25 =	sor.u32 $0x1C20, s15;
	[tilespmem:s24+$0x1000] =	vst v0  }
0x4b: {  	p0 =	sne.s32 s13, $0xF80;
	s26 =	sor.u32 $0x1C30, s15;
	[tilespmem:s25+$0x1000] =	vst v0  }
.Ltmp0:
0x4c: {  	s28 =	sor.u32 $0x1C40, s15;
	[tilespmem:s26+$0x1000] =	vst v0;
	(pc) =	sbr.rel @p0 .LBB2_2-.Ltmp0, $4  }
0x4d: {  	s29 =	sor.u32 $0x1C50, s15;
	[tilespmem:s28+$0x1000] =	vst v0  }
0x4e: {  	s30 =	sor.u32 $0x1C60, s15;
	[tilespmem:s29+$0x1000] =	vst v0  }
0x4f: {  	s11 =	sadd.s32 $0x1, s11;
	s31 =	sor.u32 $0x1C70, s15;
	[tilespmem:s30+$0x1000] =	vst v0  }
0x50: {  	s10 =	sadd.s32 $0x400, s10;
	s13 =	sadd.s32 $0x80, s13;
	s12 =	sadd.s32 $0x400, s12;
	[tilespmem:s31+$0x1000] =	vst v0  }
0x51: {  	s10 =	simm.s32 $0x0;
	s11 =	simm.s32 $0x10  }
.LBB2_4:
0x52: {  	v2 =	vld [tilespmem:s11+$0xFFFFFFF0];
	_ =	sdelay $0x3  }
0x53: {  	v3 =	vmov s10  }
0x54: {  	v4 =	vshll.u32 v3, $0xA;
	v5 =	vshll.u32 v2, $0x3  }
0x55: {  	v4 =	vand.u32 $0x6000, v4;
	v5 =	vand.u32 $0xFFFFFC00, v5  }
0x56: {  	v3 =	vshll.u32 v3, $0x7;
	v2 =	vand.u32 $0x7F, v2;
	v5 =	vadd.s32 v4, v5  }
0x57: {  	v3 =	vand.u32 $0x380, v3;
	v2 =	vor.u32 v2, v5  }
0x58: {  	v2 =	vor.u32 v3, v2;
	_ =	sdelay $0x4  }
0x59: {  	[tilespmem:v2+s8+$0x0] =	vst.idx.add.f32.msk $0xffff, v1  }
0x5a: {  	v2 =	vld [tilespmem:s11+$0x0];
	_ =	sdelay $0x3  }
0x5b: {  	s12 =	sadd.s32 s10, s3  }
0x5c: {  	v6 =	vmov s12;
	v62 =	vshll.u32 v2, $0x3  }
0x5d: {  	v7 =	vshll.u32 v6, $0x3;
	v5 =	vand.u32 $0xFFFFFC00, v62  }
0x5e: {  	v7 =	vand.u32 $0x7FFFFC00, v7;
	v2 =	vand.u32 $0x7F, v2;
	v5 =	vadd.s32 v4, v5  }
0x5f: {  	v63 =	vand.u32 $0x7F, v6;
	v4 =	vadd.s32 v4, v7;
	v2 =	vor.u32 v2, v5  }
0x60: {  	v4 =	vor.u32 v63, v4;
	v2 =	vor.u32 v3, v2  }
0x61: {  	p0 =	sne.s32 s10, $0x1F;
	v3 =	vor.u32 v3, v4  }
.Ltmp1:
0x62: {  	_ = 	snop;
	(pc) =	sbr.rel @p0 .LBB2_4-.Ltmp1, $3  }
0x63: {  	_ =	sdelay $0x1  }
0x64: {  	[tilespmem:v2+s8+$0x0] =	vst.idx.add.f32.msk $0xffff, v1  }
0x65: {  	s10 =	sadd.s32 $0x1, s10;
	s11 =	sadd.s32 $0x80, s11;
	[tilespmem:v3+s8+$0x0] =	vst.idx.add.f32.msk $0x1, v1  }
0x66: {  	s9 =	sadd.s32 $0x1, s9  }
0x67: {  	p0 =	sne.s32 s9, s6  }
.Ltmp2:
0x68: {  	_ = 	snop;
	(pc) =	sbr.rel @p0 .LBB2_1-.Ltmp2, $4  }
0x69: {  	[hbm4b:s5+s2] =	stream.linear.scatter [tilespmem:s8], [sflag:$0x1], $0x8000, $0x38;
	[tilespmem:$0x9000] =	vst v63  }
0x6a: {  	_ =	swait.ge [sflag:s7], $0x8000  }
0x6b: {  	[sflag:s7] =	ssyncset.done $0x0  }
0x6c: {  	[sflag:s7] =	ssyncadd.s32 $0xFFFF8000  }
0x6d: {  	_ =	sfence.sel $0x180000  }
0x6e: {  	[bflag:$0x0] =	sbarrier.arrive $0xFFFF  }
0x6f: {  	p0 =	sne.s32 s1, $0x0;
	_ =	strace $0x90000047  }
0x70: {  	s0 =	sadd.s32 @!p0 $0x100000, s0;
	[bflag:$0x2] =	sbarrier.arrive $0xFFFF  }
0x71: {  	[sflag:s0] =	ssyncadd.tile.s32 @!p0 $0x1;
	_ =	shalt  }
.Lfunc_end2:
_tile_overlayer_lowered:
.L_overlay_start_2:
0x72: {  	(tag) =	ssettag $0x2  }
0x73: {  	s0 =	rddreg [dreg:$0x0];
	s2 =	stileid.u32  }
0x74: {  	s1 =	rddreg [dreg:$0x1];
	p0 =	sne.s32 s2, $0x0  }
0x75: {  	s3 =	rddreg [dreg:$0x2];
	[bflag:$0x3] =	sbarrier.arrive $0xFFFF;
	s2 =	simm.s32 @!p0 $0x1C01  }
0x76: {  	[timem:s3], [sflag:s2] =	dma.local @!p0 [hbm:s0], s1  }
0x77: {  	s0 =	simm.s32 @!p0 $0x1  }
0x78: {  	_ =	swait.ge @!p0 [sflag:s0], s1  }
0x79: {  	s1 =	ssub.s32 @!p0 $0x0, s1;
	[sflag:s0] =	ssyncset.done @!p0 $0x0  }
0x7a: {  	[sflag:s0] =	ssyncadd.s32 @!p0 s1  }
0x7b: {  	[bflag:$0x3] =	sbarrier.arrive $0xFFFF  }
0x7c: {  	_ =	shalt  }

</sc_bundles>
